<compile_context>
chip_gen: v7x
topology: tpu7x:2x2x1
jax: 0.10.2.dev20260603
libtpu: 0.0.44.dev20260713+nightly
codegen_flags: <defaults>
</compile_context>

<pallas_src>
import functools

import jax
import jax.numpy as jnp
from jax import lax
from jax.experimental import pallas as pl
from jax.experimental.pallas import tpu as pltpu
from jax.experimental.pallas import tpu_sc as plsc

_BETA = 0.25
_ROW_BLOCK = 512
_NCHUNKS = 8


def _prep_body(cb_ref, cbm2_ref, esq_ref):
    cb = cb_ref[...]
    cbm2_ref[...] = (-2.0 * cb).astype(jnp.bfloat16)
    esq_ref[...] = jnp.sum(cb * cb, axis=1, keepdims=True).T


def _codebook_prep(codebook):
    k, d = codebook.shape
    blk = 1024
    return pl.pallas_call(
        _prep_body,
        grid=(k // blk,),
        in_specs=[pl.BlockSpec((blk, d), lambda i: (i, 0))],
        out_specs=[
            pl.BlockSpec((blk, d), lambda i: (i, 0)),
            pl.BlockSpec((1, blk), lambda i: (0, i)),
        ],
        out_shape=[
            jax.ShapeDtypeStruct((k, d), jnp.bfloat16),
            jax.ShapeDtypeStruct((1, k), jnp.float32),
        ],
        compiler_params=pltpu.CompilerParams(
            dimension_semantics=("parallel",)),
    )(codebook)


def _dist_argmin_body(nr, n_elems, z_ref, cbm2_ref, esq_ref, iota_ref,
                      idx_ref, loss_ref):
    i = pl.program_id(0)

    @pl.when(i == 0)
    def _init():
        loss_ref[...] = jnp.zeros_like(loss_ref)

    zb = z_ref[...]
    r = zb.shape[0]
    zsq = jnp.sum(zb * zb, axis=1, keepdims=True)
    zb16 = zb.astype(jnp.bfloat16)
    k = cbm2_ref.shape[0]
    kc = k // _NCHUNKS
    m128 = g128 = None
    for c in range(_NCHUNKS):
        lo, hi = c * kc, (c + 1) * kc
        s = lax.dot_general(
            zb16, cbm2_ref[lo:hi, :], (((1,), (1,)), ((), ())),
            preferred_element_type=jnp.float32)
        dist = zsq + s + esq_ref[:, lo:hi]
        vals = [dist[:, j * 128:(j + 1) * 128] for j in range(kc // 128)]
        gids = [jnp.float32(c * (kc // 128) + j) for j in range(kc // 128)]
        while len(vals) > 1:
            nv, ng = [], []
            for a in range(0, len(vals) - 1, 2):
                take = vals[a + 1] < vals[a]
                nv.append(jnp.where(take, vals[a + 1], vals[a]))
                ng.append(jnp.where(take, gids[a + 1], gids[a]))
            if len(vals) % 2:
                nv.append(vals[-1])
                ng.append(gids[-1])
            vals, gids = nv, ng
        mc, gc = vals[0], gids[0]
        if m128 is None:
            m128, g128 = mc, gc
        else:
            take = mc < m128
            m128 = jnp.where(take, mc, m128)
            g128 = jnp.where(take, gc, g128)
    mv = jnp.min(m128, axis=1, keepdims=True)
    kcand = g128 * 128.0 + iota_ref[:, :128]
    masked = jnp.where(m128 == mv, kcand, jnp.float32(k))
    mi = jnp.min(masked, axis=1, keepdims=True)
    idx_ref[...] = mi.astype(jnp.int32).reshape(idx_ref.shape)
    loss_ref[...] += jnp.sum(mv).reshape(1, 1)

    @pl.when(i == nr - 1)
    def _finish():
        loss_ref[...] = loss_ref[...] * ((1.0 + _BETA) / n_elems)


def _dist_argmin(z_flat, cbm2, esq):
    n, d = z_flat.shape
    k = cbm2.shape[0]
    r = _ROW_BLOCK
    nr = n // r
    iota = jnp.arange(k, dtype=jnp.float32).reshape(1, k)
    idx2, loss = pl.pallas_call(
        functools.partial(_dist_argmin_body, nr, n * d),
        grid=(nr,),
        in_specs=[
            pl.BlockSpec((r, d), lambda i: (i, 0)),
            pl.BlockSpec((k, d), lambda i: (0, 0)),
            pl.BlockSpec((1, k), lambda i: (0, 0)),
            pl.BlockSpec((1, k), lambda i: (0, 0)),
        ],
        out_specs=[
            pl.BlockSpec((1, r), lambda i: (0, i)),
            pl.BlockSpec((1, 1), lambda i: (0, 0)),
        ],
        out_shape=[
            jax.ShapeDtypeStruct((1, n), jnp.int32),
            jax.ShapeDtypeStruct((1, 1), jnp.float32),
        ],
        compiler_params=pltpu.CompilerParams(
            dimension_semantics=("arbitrary",)),
    )(z_flat, cbm2, esq, iota)
    return idx2.reshape(n), loss[0, 0]


def _sc_gather(table, idx):
    n = idx.shape[0]
    d = table.shape[1]
    info = plsc.get_sparse_core_info()
    nw = info.num_cores * info.num_subcores
    b_per_w = n // nw
    mesh = plsc.VectorSubcoreMesh(core_axis_name="c", subcore_axis_name="s")

    @functools.partial(
        pl.kernel, mesh=mesh,
        out_type=jax.ShapeDtypeStruct((n, d), jnp.float32),
        scratch_types=[
            pltpu.VMEM((b_per_w,), jnp.int32),
            pltpu.VMEM((b_per_w, d), jnp.float32),
            pltpu.SemaphoreType.DMA,
        ],
    )
    def gather_kernel(table_hbm, idx_hbm, out_hbm, idx_v, rows_v, sem):
        wid = lax.axis_index("s") * info.num_cores + lax.axis_index("c")
        base = wid * b_per_w
        pltpu.sync_copy(idx_hbm.at[pl.ds(base, b_per_w)], idx_v)
        pltpu.async_copy(table_hbm.at[idx_v], rows_v, sem).wait()
        pltpu.sync_copy(rows_v, out_hbm.at[pl.ds(base, b_per_w)])

    return gather_kernel(table, idx)


def kernel(z, codebook):
    b, c, h, w = z.shape
    z_flat = jnp.transpose(z, (0, 2, 3, 1)).reshape(-1, c)
    cbm2, esq = _codebook_prep(codebook.astype(jnp.float32))
    idx_flat, vq_loss = _dist_argmin(z_flat, cbm2, esq)
    z_q_flat = _sc_gather(codebook, idx_flat)
    z_q = jnp.transpose(z_q_flat.reshape(b, h, w, c), (0, 3, 1, 2))
    z_q_st = z + lax.stop_gradient(z_q - z)
    return (z_q_st, vq_loss, idx_flat.reshape(b, h, w))

# --- scband reference (transcript-rebuilt; emitter-appended) ---
"""Pipeline reference for scband-vector-quantizer-17325898072130 (READ-ONLY COPY).

The authoritative reference and input builder live on the scoring server;
editing this copy changes nothing except your own understanding.
"""

import jax, jax.numpy as jnp
import numpy as np

BETA = 0.25
K = 8192
D = 256


def setup_inputs(seed: int = 0) -> dict:
    key = jax.random.key(seed)
    k1, k2 = jax.random.split(key)
    z = jax.random.normal(k1, (8, 256, 32, 32), dtype=jnp.float32)
    codebook = jax.random.uniform(k2, (K, D), dtype=jnp.float32, minval=-1.0 / D, maxval=1.0 / D)
    return {"z": z, "codebook": codebook}


def reference(z, codebook):
    b, c, h, w = z.shape
    z_flat = jnp.transpose(z, (0, 2, 3, 1)).reshape(-1, c).astype(jnp.float32)
    cb = codebook.astype(jnp.float32)
    # squared euclidean distances, equivalent to torch.cdist(...,p=2).pow(2)
    z_sq = jnp.sum(z_flat ** 2, axis=1, keepdims=True)
    e_sq = jnp.sum(cb ** 2, axis=1)[None, :]
    distances = jnp.maximum(z_sq - 2.0 * (z_flat @ cb.T) + e_sq, 0.0)
    min_encoding_indices = jnp.argmin(distances, axis=1)
    z_q_flat = jnp.take(codebook, min_encoding_indices, axis=0)
    z_q = jnp.transpose(z_q_flat.reshape(b, h, w, c), (0, 3, 1, 2))
    # straight-through estimator
    z_q_st = z + jax.lax.stop_gradient(z_q - z)
    codebook_loss = jnp.mean((z_q - jax.lax.stop_gradient(z)) ** 2)
    commitment_loss = jnp.mean((z - jax.lax.stop_gradient(z_q)) ** 2)
    vq_loss = codebook_loss + BETA * commitment_loss
    return (z_q_st, vq_loss, min_encoding_indices.reshape(b, h, w))

if __name__ == "__main__":
    import jax
    _d = setup_inputs()
    print(jax.jit(kernel)(*tuple(_d.values())))

</pallas_src>

<mosaic_0001>
#map = affine_map<(d0, d1) -> (0, 0)>
#map1 = affine_map<(d0, d1) -> (0)>
module attributes {stable_mosaic.version = 14 : i64} {
  func.func @gather_kernel(%arg0: i32, %arg1: i32, %arg2: memref<8192x256xf32, #tpu.memory_space<hbm>>, %arg3: memref<8192xi32, #tpu.memory_space<hbm>>, %arg4: memref<8192x256xf32, #tpu.memory_space<hbm>>, %arg5: memref<256xi32, #tpu.memory_space<vmem>>, %arg6: memref<256x256xf32, #tpu.memory_space<vmem>>, %arg7: memref<!tpu.dma_semaphore, #tpu.memory_space<semaphore_mem>>) attributes {dimension_semantics = [#tpu.dimension_semantics<core_parallel>, #tpu.dimension_semantics<subcore_parallel>], iteration_bounds = array<i64: 2, 16>, scalar_prefetch = 0 : i64, scratch_operands = 3 : i64, tpu.core_type = #tpu.core_type<sc_vector_subcore>, window_params = [{transform_indices = #map}, {transform_indices = #map1}, {transform_indices = #map}]} {
    %mul3A = arith.constant 2 : i32
    %mul3A_0 = arith.muli %arg1, %mul3A : i32
    %add3A = arith.addi %mul3A_0, %arg0 : i32
    %mul3A_1 = arith.constant 256 : i32
    %mul3A_2 = arith.muli %add3A, %mul3A_1 : i32
    "tpu.region"() ({
      %run_scoped3A = tpu.sem_alloc : memref<!tpu.dma_semaphore, #tpu.memory_space<semaphore_mem>>
      %dma_start3A_7 = tpu.memref_slice %arg3[%mul3A_2] : memref<8192xi32, #tpu.memory_space<hbm>> -> memref<256xi32, #tpu.memory_space<hbm>>
      %dma_start3A_8 = tpu.memref_slice %arg3[%mul3A_2] : memref<8192xi32, #tpu.memory_space<hbm>> -> memref<256xi32, #tpu.memory_space<hbm>>
      tpu.enqueue_dma source(%dma_start3A_8 : memref<256xi32, #tpu.memory_space<hbm>>) target(%arg5 : memref<256xi32, #tpu.memory_space<vmem>>) target_semaphore(%run_scoped3A : memref<!tpu.dma_semaphore, #tpu.memory_space<semaphore_mem>>)
      %dma_wait3A_9 = tpu.memref_slice %arg3[%mul3A_2] : memref<8192xi32, #tpu.memory_space<hbm>> -> memref<256xi32, #tpu.memory_space<hbm>>
      %dma_wait3A_10 = tpu.memref_slice %arg3[%mul3A_2] : memref<8192xi32, #tpu.memory_space<hbm>> -> memref<256xi32, #tpu.memory_space<hbm>>
      tpu.wait_dma2 semaphore(%run_scoped3A : memref<!tpu.dma_semaphore, #tpu.memory_space<semaphore_mem>>) src(%dma_wait3A_10 : memref<256xi32, #tpu.memory_space<hbm>>) dst(%arg5 : memref<256xi32, #tpu.memory_space<vmem>>)
      tpu.yield
    }) : () -> ()
    %dma_start3A = arith.constant 0 : i32
    %dma_start3A_3 = arith.constant 0 : i32
    %dma_start3A_4 = tpu.memref_slice %arg2[%dma_start3A, %dma_start3A_3] : memref<8192x256xf32, #tpu.memory_space<hbm>> -> memref<8192x256xf32, #tpu.memory_space<hbm>>
    tpu.enqueue_indirect_dma source(%dma_start3A_4 : memref<8192x256xf32, #tpu.memory_space<hbm>>) target(%arg6 : memref<256x256xf32, #tpu.memory_space<vmem>>) offsets(%arg5 : memref<256xi32, #tpu.memory_space<vmem>>) semaphore(%arg7 : memref<!tpu.dma_semaphore, #tpu.memory_space<semaphore_mem>>)
    %dma_wait3A = arith.constant 0 : i32
    %dma_wait3A_5 = arith.constant 0 : i32
    %dma_wait3A_6 = tpu.memref_slice %arg2[%dma_wait3A, %dma_wait3A_5] : memref<8192x256xf32, #tpu.memory_space<hbm>> -> memref<8192x256xf32, #tpu.memory_space<hbm>>
    tpu.wait_indirect_dma semaphore(%arg7 : memref<!tpu.dma_semaphore, #tpu.memory_space<semaphore_mem>>) src(%dma_wait3A_6 : memref<8192x256xf32, #tpu.memory_space<hbm>>) dst(%arg6 : memref<256x256xf32, #tpu.memory_space<vmem>>)
    "tpu.region"() ({
      %run_scoped3A = tpu.sem_alloc : memref<!tpu.dma_semaphore, #tpu.memory_space<semaphore_mem>>
      %dma_start3A_7 = arith.constant 0 : i32
      %dma_start3A_8 = tpu.memref_slice %arg4[%mul3A_2, %dma_start3A_7] : memref<8192x256xf32, #tpu.memory_space<hbm>> -> memref<256x256xf32, #tpu.memory_space<hbm>>
      %dma_start3A_9 = arith.constant 0 : i32
      %dma_start3A_10 = tpu.memref_slice %arg4[%mul3A_2, %dma_start3A_9] : memref<8192x256xf32, #tpu.memory_space<hbm>> -> memref<256x256xf32, #tpu.memory_space<hbm>>
      tpu.enqueue_dma source(%arg6 : memref<256x256xf32, #tpu.memory_space<vmem>>) target(%dma_start3A_10 : memref<256x256xf32, #tpu.memory_space<hbm>>) target_semaphore(%run_scoped3A : memref<!tpu.dma_semaphore, #tpu.memory_space<semaphore_mem>>)
      %dma_wait3A_11 = arith.constant 0 : i32
      %dma_wait3A_12 = tpu.memref_slice %arg4[%mul3A_2, %dma_wait3A_11] : memref<8192x256xf32, #tpu.memory_space<hbm>> -> memref<256x256xf32, #tpu.memory_space<hbm>>
      %dma_wait3A_13 = arith.constant 0 : i32
      %dma_wait3A_14 = tpu.memref_slice %arg4[%mul3A_2, %dma_wait3A_13] : memref<8192x256xf32, #tpu.memory_space<hbm>> -> memref<256x256xf32, #tpu.memory_space<hbm>>
      tpu.wait_dma2 semaphore(%run_scoped3A : memref<!tpu.dma_semaphore, #tpu.memory_space<semaphore_mem>>) src(%arg6 : memref<256x256xf32, #tpu.memory_space<vmem>>) dst(%dma_wait3A_14 : memref<256x256xf32, #tpu.memory_space<hbm>>)
      tpu.yield
    }) : () -> ()
    return
  }
}

module attributes {stable_mosaic.version = 14 : i64} {
  func.func @_dist_argmin_body(%arg0: i32, %arg1: memref<512x256xf32, #tpu.memory_space<vmem>>, %arg2: memref<8192x256xbf16, #tpu.memory_space<vmem>>, %arg3: memref<1x8192xf32, #tpu.memory_space<vmem>>, %arg4: memref<1x8192xf32, #tpu.memory_space<vmem>>, %arg5: memref<1x512xi32, #tpu.memory_space<vmem>>, %arg6: memref<1x1xf32, #tpu.memory_space<vmem>>) attributes {dimension_semantics = [#tpu.dimension_semantics<arbitrary>], iteration_bounds = array<i64: 16>, scalar_prefetch = 0 : i64, scratch_operands = 0 : i64, tpu.core_type = #tpu.core_type<tc>, window_params = [{transform_indices = @transform_0, window_bounds = array<i64: 512, 256>}, {pipeline_mode = #tpu.pipeline_mode<synchronous>, transform_indices = @transform_1, window_bounds = array<i64: 8192, 256>}, {pipeline_mode = #tpu.pipeline_mode<synchronous>, transform_indices = @transform_2, window_bounds = array<i64: 1, 8192>}, {pipeline_mode = #tpu.pipeline_mode<synchronous>, transform_indices = @transform_3, window_bounds = array<i64: 1, 8192>}, {transform_indices = @transform_4, window_bounds = array<i64: 1, 512>}, {pipeline_mode = #tpu.pipeline_mode<synchronous>, transform_indices = @transform_5, window_bounds = array<i64: 1, 1>}]} {
    %eq3A = arith.constant 0 : i32
    %eq3A_0 = arith.cmpi eq, %arg0, %eq3A : i32
    %convert_element_type3A = arith.extui %eq3A_0 : i1 to i32
    %cond3A = arith.constant 0 : i32
    %cond3A_1 = arith.cmpi ne, %convert_element_type3A, %cond3A : i32
    scf.if %cond3A_1 {
      %broadcast_in_dim3A_516 = arith.constant 0.000000e+00 : f32
      %broadcast_in_dim3A_517 = vector.broadcast %broadcast_in_dim3A_516 : f32 to vector<1x1xf32>
      %swap3A_518 = arith.constant 0 : index
      %swap3A_519 = arith.constant 0 : index
      %swap3A_520 = vector.load %arg6[%swap3A_518, %swap3A_519] : memref<1x1xf32, #tpu.memory_space<vmem>>, vector<1x1xf32>
      tpu.vector_store %arg6[%swap3A_518, %swap3A_519], %broadcast_in_dim3A_517 {strides = array<i32>} : memref<1x1xf32, #tpu.memory_space<vmem>>, vector<1x1xf32>,
    } else {
    }
    %get3A = arith.constant 0 : index
    %get3A_2 = arith.constant 0 : index
    %get3A_3 = vector.load %arg1[%get3A, %get3A_2] : memref<512x256xf32, #tpu.memory_space<vmem>>, vector<512x256xf32>
    %mul3A = arith.mulf %get3A_3, %get3A_3 : vector<512x256xf32>
    %reduce_sum3A = arith.constant dense<0.000000e+00> : vector<512xf32>
    %reduce_sum3A_4 = vector.multi_reduction <add>, %mul3A, %reduce_sum3A [1] : vector<512x256xf32> to vector<512xf32>
    %broadcast_in_dim3A = vector.shape_cast %reduce_sum3A_4 : vector<512xf32> to vector<512x1xf32>
    %convert_element_type3A_5 = arith.truncf %get3A_3 : vector<512x256xf32> to vector<512x256xbf16>
    %get3A_6 = arith.constant 0 : index
    %get3A_7 = arith.constant 0 : index
    %get3A_8 = vector.load %arg2[%get3A_6, %get3A_7] : memref<8192x256xbf16, #tpu.memory_space<vmem>>, vector<1024x256xbf16>
    %dot_general3A = arith.constant dense<0.000000e+00> : vector<512x1024xf32>
    %dot_general3A_9 = tpu.matmul %convert_element_type3A_5, %get3A_8, %dot_general3A {dimension_numbers = #tpu.dot_dimension_numbers<[1], [1], [0], [0], [0, 0, 1, 0], [], []>, transpose_lhs_hint = false} : vector<512x256xbf16>, vector<1024x256xbf16>, vector<512x1024xf32> -> vector<512x1024xf32>
    %add3A = vector.broadcast %broadcast_in_dim3A : vector<512x1xf32> to vector<512x1024xf32>
    %add3A_10 = arith.addf %add3A, %dot_general3A_9 : vector<512x1024xf32>
    %get3A_11 = arith.constant 0 : index
    %get3A_12 = arith.constant 0 : index
    %get3A_13 = vector.load %arg3[%get3A_11, %get3A_12] : memref<1x8192xf32, #tpu.memory_space<vmem>>, vector<1x1024xf32>
    %add3A_14 = vector.broadcast %get3A_13 : vector<1x1024xf32> to vector<512x1024xf32>
    %add3A_15 = arith.addf %add3A_10, %add3A_14 : vector<512x1024xf32>
    %slice3A = vector.extract_strided_slice %add3A_15 {offsets = [0, 0], sizes = [512, 128], strides = [1, 1]} : vector<512x1024xf32> to vector<512x128xf32>
    %slice3A_16 = vector.extract_strided_slice %add3A_15 {offsets = [0, 128], sizes = [512, 128], strides = [1, 1]} : vector<512x1024xf32> to vector<512x128xf32>
    %slice3A_17 = vector.extract_strided_slice %add3A_15 {offsets = [0, 256], sizes = [512, 128], strides = [1, 1]} : vector<512x1024xf32> to vector<512x128xf32>
    %slice3A_18 = vector.extract_strided_slice %add3A_15 {offsets = [0, 384], sizes = [512, 128], strides = [1, 1]} : vector<512x1024xf32> to vector<512x128xf32>
    %slice3A_19 = vector.extract_strided_slice %add3A_15 {offsets = [0, 512], sizes = [512, 128], strides = [1, 1]} : vector<512x1024xf32> to vector<512x128xf32>
    %slice3A_20 = vector.extract_strided_slice %add3A_15 {offsets = [0, 640], sizes = [512, 128], strides = [1, 1]} : vector<512x1024xf32> to vector<512x128xf32>
    %slice3A_21 = vector.extract_strided_slice %add3A_15 {offsets = [0, 768], sizes = [512, 128], strides = [1, 1]} : vector<512x1024xf32> to vector<512x128xf32>
    %slice3A_22 = vector.extract_strided_slice %add3A_15 {offsets = [0, 896], sizes = [512, 128], strides = [1, 1]} : vector<512x1024xf32> to vector<512x128xf32>
    %lt3A = arith.cmpf olt, %slice3A_16, %slice3A : vector<512x128xf32>
    %select_n3A = arith.select %lt3A, %slice3A_16, %slice3A : vector<512x128xi1>, vector<512x128xf32>
    %jit3A = arith.constant 1.000000e+00 : f32
    %jit3A_23 = arith.constant 0.000000e+00 : f32
    %broadcast_in_dim3A_24 = vector.broadcast %jit3A : f32 to vector<512x128xf32>
    %broadcast_in_dim3A_25 = vector.broadcast %jit3A_23 : f32 to vector<512x128xf32>
    %select_n3A_26 = arith.select %lt3A, %broadcast_in_dim3A_24, %broadcast_in_dim3A_25 : vector<512x128xi1>, vector<512x128xf32>
    %lt3A_27 = arith.cmpf olt, %slice3A_18, %slice3A_17 : vector<512x128xf32>
    %select_n3A_28 = arith.select %lt3A_27, %slice3A_18, %slice3A_17 : vector<512x128xi1>, vector<512x128xf32>
    %jit3A_29 = arith.constant 3.000000e+00 : f32
    %jit3A_30 = arith.constant 2.000000e+00 : f32
    %broadcast_in_dim3A_31 = vector.broadcast %jit3A_29 : f32 to vector<512x128xf32>
    %broadcast_in_dim3A_32 = vector.broadcast %jit3A_30 : f32 to vector<512x128xf32>
    %select_n3A_33 = arith.select %lt3A_27, %broadcast_in_dim3A_31, %broadcast_in_dim3A_32 : vector<512x128xi1>, vector<512x128xf32>
    %lt3A_34 = arith.cmpf olt, %slice3A_20, %slice3A_19 : vector<512x128xf32>
    %select_n3A_35 = arith.select %lt3A_34, %slice3A_20, %slice3A_19 : vector<512x128xi1>, vector<512x128xf32>
    %jit3A_36 = arith.constant 5.000000e+00 : f32
    %jit3A_37 = arith.constant 4.000000e+00 : f32
    %broadcast_in_dim3A_38 = vector.broadcast %jit3A_36 : f32 to vector<512x128xf32>
    %broadcast_in_dim3A_39 = vector.broadcast %jit3A_37 : f32 to vector<512x128xf32>
    %select_n3A_40 = arith.select %lt3A_34, %broadcast_in_dim3A_38, %broadcast_in_dim3A_39 : vector<512x128xi1>, vector<512x128xf32>
    %lt3A_41 = arith.cmpf olt, %slice3A_22, %slice3A_21 : vector<512x128xf32>
    %select_n3A_42 = arith.select %lt3A_41, %slice3A_22, %slice3A_21 : vector<512x128xi1>, vector<512x128xf32>
    %jit3A_43 = arith.constant 7.000000e+00 : f32
    %jit3A_44 = arith.constant 6.000000e+00 : f32
    %broadcast_in_dim3A_45 = vector.broadcast %jit3A_43 : f32 to vector<512x128xf32>
    %broadcast_in_dim3A_46 = vector.broadcast %jit3A_44 : f32 to vector<512x128xf32>
    %select_n3A_47 = arith.select %lt3A_41, %broadcast_in_dim3A_45, %broadcast_in_dim3A_46 : vector<512x128xi1>, vector<512x128xf32>
    %lt3A_48 = arith.cmpf olt, %select_n3A_28, %select_n3A : vector<512x128xf32>
    %select_n3A_49 = arith.select %lt3A_48, %select_n3A_28, %select_n3A : vector<512x128xi1>, vector<512x128xf32>
    %select_n3A_50 = arith.select %lt3A_48, %select_n3A_33, %select_n3A_26 : vector<512x128xi1>, vector<512x128xf32>
    %lt3A_51 = arith.cmpf olt, %select_n3A_42, %select_n3A_35 : vector<512x128xf32>
    %select_n3A_52 = arith.select %lt3A_51, %select_n3A_42, %select_n3A_35 : vector<512x128xi1>, vector<512x128xf32>
    %select_n3A_53 = arith.select %lt3A_51, %select_n3A_47, %select_n3A_40 : vector<512x128xi1>, vector<512x128xf32>
    %lt3A_54 = arith.cmpf olt, %select_n3A_52, %select_n3A_49 : vector<512x128xf32>
    %select_n3A_55 = arith.select %lt3A_54, %select_n3A_52, %select_n3A_49 : vector<512x128xi1>, vector<512x128xf32>
    %select_n3A_56 = arith.select %lt3A_54, %select_n3A_53, %select_n3A_50 : vector<512x128xi1>, vector<512x128xf32>
    %get3A_57 = arith.constant 1024 : index
    %get3A_58 = arith.constant 0 : index
    %get3A_59 = vector.load %arg2[%get3A_57, %get3A_58] : memref<8192x256xbf16, #tpu.memory_space<vmem>>, vector<1024x256xbf16>
    %dot_general3A_60 = arith.constant dense<0.000000e+00> : vector<512x1024xf32>
    %dot_general3A_61 = tpu.matmul %convert_element_type3A_5, %get3A_59, %dot_general3A_60 {dimension_numbers = #tpu.dot_dimension_numbers<[1], [1], [0], [0], [0, 0, 1, 0], [], []>, transpose_lhs_hint = false} : vector<512x256xbf16>, vector<1024x256xbf16>, vector<512x1024xf32> -> vector<512x1024xf32>
    %add3A_62 = vector.broadcast %broadcast_in_dim3A : vector<512x1xf32> to vector<512x1024xf32>
    %add3A_63 = arith.addf %add3A_62, %dot_general3A_61 : vector<512x1024xf32>
    %get3A_64 = arith.constant 0 : index
    %get3A_65 = arith.constant 1024 : index
    %get3A_66 = vector.load %arg3[%get3A_64, %get3A_65] : memref<1x8192xf32, #tpu.memory_space<vmem>>, vector<1x1024xf32>
    %add3A_67 = vector.broadcast %get3A_66 : vector<1x1024xf32> to vector<512x1024xf32>
    %add3A_68 = arith.addf %add3A_63, %add3A_67 : vector<512x1024xf32>
    %slice3A_69 = vector.extract_strided_slice %add3A_68 {offsets = [0, 0], sizes = [512, 128], strides = [1, 1]} : vector<512x1024xf32> to vector<512x128xf32>
    %slice3A_70 = vector.extract_strided_slice %add3A_68 {offsets = [0, 128], sizes = [512, 128], strides = [1, 1]} : vector<512x1024xf32> to vector<512x128xf32>
    %slice3A_71 = vector.extract_strided_slice %add3A_68 {offsets = [0, 256], sizes = [512, 128], strides = [1, 1]} : vector<512x1024xf32> to vector<512x128xf32>
    %slice3A_72 = vector.extract_strided_slice %add3A_68 {offsets = [0, 384], sizes = [512, 128], strides = [1, 1]} : vector<512x1024xf32> to vector<512x128xf32>
    %slice3A_73 = vector.extract_strided_slice %add3A_68 {offsets = [0, 512], sizes = [512, 128], strides = [1, 1]} : vector<512x1024xf32> to vector<512x128xf32>
    %slice3A_74 = vector.extract_strided_slice %add3A_68 {offsets = [0, 640], sizes = [512, 128], strides = [1, 1]} : vector<512x1024xf32> to vector<512x128xf32>
    %slice3A_75 = vector.extract_strided_slice %add3A_68 {offsets = [0, 768], sizes = [512, 128], strides = [1, 1]} : vector<512x1024xf32> to vector<512x128xf32>
    %slice3A_76 = vector.extract_strided_slice %add3A_68 {offsets = [0, 896], sizes = [512, 128], strides = [1, 1]} : vector<512x1024xf32> to vector<512x128xf32>
    %lt3A_77 = arith.cmpf olt, %slice3A_70, %slice3A_69 : vector<512x128xf32>
    %select_n3A_78 = arith.select %lt3A_77, %slice3A_70, %slice3A_69 : vector<512x128xi1>, vector<512x128xf32>
    %jit3A_79 = arith.constant 9.000000e+00 : f32
    %jit3A_80 = arith.constant 8.000000e+00 : f32
    %broadcast_in_dim3A_81 = vector.broadcast %jit3A_79 : f32 to vector<512x128xf32>
    %broadcast_in_dim3A_82 = vector.broadcast %jit3A_80 : f32 to vector<512x128xf32>
    %select_n3A_83 = arith.select %lt3A_77, %broadcast_in_dim3A_81, %broadcast_in_dim3A_82 : vector<512x128xi1>, vector<512x128xf32>
    %lt3A_84 = arith.cmpf olt, %slice3A_72, %slice3A_71 : vector<512x128xf32>
    %select_n3A_85 = arith.select %lt3A_84, %slice3A_72, %slice3A_71 : vector<512x128xi1>, vector<512x128xf32>
    %jit3A_86 = arith.constant 1.100000e+01 : f32
    %jit3A_87 = arith.constant 1.000000e+01 : f32
    %broadcast_in_dim3A_88 = vector.broadcast %jit3A_86 : f32 to vector<512x128xf32>
    %broadcast_in_dim3A_89 = vector.broadcast %jit3A_87 : f32 to vector<512x128xf32>
    %select_n3A_90 = arith.select %lt3A_84, %broadcast_in_dim3A_88, %broadcast_in_dim3A_89 : vector<512x128xi1>, vector<512x128xf32>
    %lt3A_91 = arith.cmpf olt, %slice3A_74, %slice3A_73 : vector<512x128xf32>
    %select_n3A_92 = arith.select %lt3A_91, %slice3A_74, %slice3A_73 : vector<512x128xi1>, vector<512x128xf32>
    %jit3A_93 = arith.constant 1.300000e+01 : f32
    %jit3A_94 = arith.constant 1.200000e+01 : f32
    %broadcast_in_dim3A_95 = vector.broadcast %jit3A_93 : f32 to vector<512x128xf32>
    %broadcast_in_dim3A_96 = vector.broadcast %jit3A_94 : f32 to vector<512x128xf32>
    %select_n3A_97 = arith.select %lt3A_91, %broadcast_in_dim3A_95, %broadcast_in_dim3A_96 : vector<512x128xi1>, vector<512x128xf32>
    %lt3A_98 = arith.cmpf olt, %slice3A_76, %slice3A_75 : vector<512x128xf32>
    %select_n3A_99 = arith.select %lt3A_98, %slice3A_76, %slice3A_75 : vector<512x128xi1>, vector<512x128xf32>
    %jit3A_100 = arith.constant 1.500000e+01 : f32
    %jit3A_101 = arith.constant 1.400000e+01 : f32
    %broadcast_in_dim3A_102 = vector.broadcast %jit3A_100 : f32 to vector<512x128xf32>
    %broadcast_in_dim3A_103 = vector.broadcast %jit3A_101 : f32 to vector<512x128xf32>
    %select_n3A_104 = arith.select %lt3A_98, %broadcast_in_dim3A_102, %broadcast_in_dim3A_103 : vector<512x128xi1>, vector<512x128xf32>
    %lt3A_105 = arith.cmpf olt, %select_n3A_85, %select_n3A_78 : vector<512x128xf32>
    %select_n3A_106 = arith.select %lt3A_105, %select_n3A_85, %select_n3A_78 : vector<512x128xi1>, vector<512x128xf32>
    %select_n3A_107 = arith.select %lt3A_105, %select_n3A_90, %select_n3A_83 : vector<512x128xi1>, vector<512x128xf32>
    %lt3A_108 = arith.cmpf olt, %select_n3A_99, %select_n3A_92 : vector<512x128xf32>
    %select_n3A_109 = arith.select %lt3A_108, %select_n3A_99, %select_n3A_92 : vector<512x128xi1>, vector<512x128xf32>
    %select_n3A_110 = arith.select %lt3A_108, %select_n3A_104, %select_n3A_97 : vector<512x128xi1>, vector<512x128xf32>
    %lt3A_111 = arith.cmpf olt, %select_n3A_109, %select_n3A_106 : vector<512x128xf32>
    %select_n3A_112 = arith.select %lt3A_111, %select_n3A_109, %select_n3A_106 : vector<512x128xi1>, vector<512x128xf32>
    %select_n3A_113 = arith.select %lt3A_111, %select_n3A_110, %select_n3A_107 : vector<512x128xi1>, vector<512x128xf32>
    %lt3A_114 = arith.cmpf olt, %select_n3A_112, %select_n3A_55 : vector<512x128xf32>
    %select_n3A_115 = arith.select %lt3A_114, %select_n3A_112, %select_n3A_55 : vector<512x128xi1>, vector<512x128xf32>
    %select_n3A_116 = arith.select %lt3A_114, %select_n3A_113, %select_n3A_56 : vector<512x128xi1>, vector<512x128xf32>
    %get3A_117 = arith.constant 2048 : index
    %get3A_118 = arith.constant 0 : index
    %get3A_119 = vector.load %arg2[%get3A_117, %get3A_118] : memref<8192x256xbf16, #tpu.memory_space<vmem>>, vector<1024x256xbf16>
    %dot_general3A_120 = arith.constant dense<0.000000e+00> : vector<512x1024xf32>
    %dot_general3A_121 = tpu.matmul %convert_element_type3A_5, %get3A_119, %dot_general3A_120 {dimension_numbers = #tpu.dot_dimension_numbers<[1], [1], [0], [0], [0, 0, 1, 0], [], []>, transpose_lhs_hint = false} : vector<512x256xbf16>, vector<1024x256xbf16>, vector<512x1024xf32> -> vector<512x1024xf32>
    %add3A_122 = vector.broadcast %broadcast_in_dim3A : vector<512x1xf32> to vector<512x1024xf32>
    %add3A_123 = arith.addf %add3A_122, %dot_general3A_121 : vector<512x1024xf32>
    %get3A_124 = arith.constant 0 : index
    %get3A_125 = arith.constant 2048 : index
    %get3A_126 = vector.load %arg3[%get3A_124, %get3A_125] : memref<1x8192xf32, #tpu.memory_space<vmem>>, vector<1x1024xf32>
    %add3A_127 = vector.broadcast %get3A_126 : vector<1x1024xf32> to vector<512x1024xf32>
    %add3A_128 = arith.addf %add3A_123, %add3A_127 : vector<512x1024xf32>
    %slice3A_129 = vector.extract_strided_slice %add3A_128 {offsets = [0, 0], sizes = [512, 128], strides = [1, 1]} : vector<512x1024xf32> to vector<512x128xf32>
    %slice3A_130 = vector.extract_strided_slice %add3A_128 {offsets = [0, 128], sizes = [512, 128], strides = [1, 1]} : vector<512x1024xf32> to vector<512x128xf32>
    %slice3A_131 = vector.extract_strided_slice %add3A_128 {offsets = [0, 256], sizes = [512, 128], strides = [1, 1]} : vector<512x1024xf32> to vector<512x128xf32>
    %slice3A_132 = vector.extract_strided_slice %add3A_128 {offsets = [0, 384], sizes = [512, 128], strides = [1, 1]} : vector<512x1024xf32> to vector<512x128xf32>
    %slice3A_133 = vector.extract_strided_slice %add3A_128 {offsets = [0, 512], sizes = [512, 128], strides = [1, 1]} : vector<512x1024xf32> to vector<512x128xf32>
    %slice3A_134 = vector.extract_strided_slice %add3A_128 {offsets = [0, 640], sizes = [512, 128], strides = [1, 1]} : vector<512x1024xf32> to vector<512x128xf32>
    %slice3A_135 = vector.extract_strided_slice %add3A_128 {offsets = [0, 768], sizes = [512, 128], strides = [1, 1]} : vector<512x1024xf32> to vector<512x128xf32>
    %slice3A_136 = vector.extract_strided_slice %add3A_128 {offsets = [0, 896], sizes = [512, 128], strides = [1, 1]} : vector<512x1024xf32> to vector<512x128xf32>
    %lt3A_137 = arith.cmpf olt, %slice3A_130, %slice3A_129 : vector<512x128xf32>
    %select_n3A_138 = arith.select %lt3A_137, %slice3A_130, %slice3A_129 : vector<512x128xi1>, vector<512x128xf32>
    %jit3A_139 = arith.constant 1.700000e+01 : f32
    %jit3A_140 = arith.constant 1.600000e+01 : f32
    %broadcast_in_dim3A_141 = vector.broadcast %jit3A_139 : f32 to vector<512x128xf32>
    %broadcast_in_dim3A_142 = vector.broadcast %jit3A_140 : f32 to vector<512x128xf32>
    %select_n3A_143 = arith.select %lt3A_137, %broadcast_in_dim3A_141, %broadcast_in_dim3A_142 : vector<512x128xi1>, vector<512x128xf32>
    %lt3A_144 = arith.cmpf olt, %slice3A_132, %slice3A_131 : vector<512x128xf32>
    %select_n3A_145 = arith.select %lt3A_144, %slice3A_132, %slice3A_131 : vector<512x128xi1>, vector<512x128xf32>
    %jit3A_146 = arith.constant 1.900000e+01 : f32
    %jit3A_147 = arith.constant 1.800000e+01 : f32
    %broadcast_in_dim3A_148 = vector.broadcast %jit3A_146 : f32 to vector<512x128xf32>
    %broadcast_in_dim3A_149 = vector.broadcast %jit3A_147 : f32 to vector<512x128xf32>
    %select_n3A_150 = arith.select %lt3A_144, %broadcast_in_dim3A_148, %broadcast_in_dim3A_149 : vector<512x128xi1>, vector<512x128xf32>
    %lt3A_151 = arith.cmpf olt, %slice3A_134, %slice3A_133 : vector<512x128xf32>
    %select_n3A_152 = arith.select %lt3A_151, %slice3A_134, %slice3A_133 : vector<512x128xi1>, vector<512x128xf32>
    %jit3A_153 = arith.constant 2.100000e+01 : f32
    %jit3A_154 = arith.constant 2.000000e+01 : f32
    %broadcast_in_dim3A_155 = vector.broadcast %jit3A_153 : f32 to vector<512x128xf32>
    %broadcast_in_dim3A_156 = vector.broadcast %jit3A_154 : f32 to vector<512x128xf32>
    %select_n3A_157 = arith.select %lt3A_151, %broadcast_in_dim3A_155, %broadcast_in_dim3A_156 : vector<512x128xi1>, vector<512x128xf32>
    %lt3A_158 = arith.cmpf olt, %slice3A_136, %slice3A_135 : vector<512x128xf32>
    %select_n3A_159 = arith.select %lt3A_158, %slice3A_136, %slice3A_135 : vector<512x128xi1>, vector<512x128xf32>
    %jit3A_160 = arith.constant 2.300000e+01 : f32
    %jit3A_161 = arith.constant 2.200000e+01 : f32
    %broadcast_in_dim3A_162 = vector.broadcast %jit3A_160 : f32 to vector<512x128xf32>
    %broadcast_in_dim3A_163 = vector.broadcast %jit3A_161 : f32 to vector<512x128xf32>
    %select_n3A_164 = arith.select %lt3A_158, %broadcast_in_dim3A_162, %broadcast_in_dim3A_163 : vector<512x128xi1>, vector<512x128xf32>
    %lt3A_165 = arith.cmpf olt, %select_n3A_145, %select_n3A_138 : vector<512x128xf32>
    %select_n3A_166 = arith.select %lt3A_165, %select_n3A_145, %select_n3A_138 : vector<512x128xi1>, vector<512x128xf32>
    %select_n3A_167 = arith.select %lt3A_165, %select_n3A_150, %select_n3A_143 : vector<512x128xi1>, vector<512x128xf32>
    %lt3A_168 = arith.cmpf olt, %select_n3A_159, %select_n3A_152 : vector<512x128xf32>
    %select_n3A_169 = arith.select %lt3A_168, %select_n3A_159, %select_n3A_152 : vector<512x128xi1>, vector<512x128xf32>
    %select_n3A_170 = arith.select %lt3A_168, %select_n3A_164, %select_n3A_157 : vector<512x128xi1>, vector<512x128xf32>
    %lt3A_171 = arith.cmpf olt, %select_n3A_169, %select_n3A_166 : vector<512x128xf32>
    %select_n3A_172 = arith.select %lt3A_171, %select_n3A_169, %select_n3A_166 : vector<512x128xi1>, vector<512x128xf32>
    %select_n3A_173 = arith.select %lt3A_171, %select_n3A_170, %select_n3A_167 : vector<512x128xi1>, vector<512x128xf32>
    %lt3A_174 = arith.cmpf olt, %select_n3A_172, %select_n3A_115 : vector<512x128xf32>
    %select_n3A_175 = arith.select %lt3A_174, %select_n3A_172, %select_n3A_115 : vector<512x128xi1>, vector<512x128xf32>
    %select_n3A_176 = arith.select %lt3A_174, %select_n3A_173, %select_n3A_116 : vector<512x128xi1>, vector<512x128xf32>
    %get3A_177 = arith.constant 3072 : index
    %get3A_178 = arith.constant 0 : index
    %get3A_179 = vector.load %arg2[%get3A_177, %get3A_178] : memref<8192x256xbf16, #tpu.memory_space<vmem>>, vector<1024x256xbf16>
    %dot_general3A_180 = arith.constant dense<0.000000e+00> : vector<512x1024xf32>
    %dot_general3A_181 = tpu.matmul %convert_element_type3A_5, %get3A_179, %dot_general3A_180 {dimension_numbers = #tpu.dot_dimension_numbers<[1], [1], [0], [0], [0, 0, 1, 0], [], []>, transpose_lhs_hint = false} : vector<512x256xbf16>, vector<1024x256xbf16>, vector<512x1024xf32> -> vector<512x1024xf32>
    %add3A_182 = vector.broadcast %broadcast_in_dim3A : vector<512x1xf32> to vector<512x1024xf32>
    %add3A_183 = arith.addf %add3A_182, %dot_general3A_181 : vector<512x1024xf32>
    %get3A_184 = arith.constant 0 : index
    %get3A_185 = arith.constant 3072 : index
    %get3A_186 = vector.load %arg3[%get3A_184, %get3A_185] : memref<1x8192xf32, #tpu.memory_space<vmem>>, vector<1x1024xf32>
    %add3A_187 = vector.broadcast %get3A_186 : vector<1x1024xf32> to vector<512x1024xf32>
    %add3A_188 = arith.addf %add3A_183, %add3A_187 : vector<512x1024xf32>
    %slice3A_189 = vector.extract_strided_slice %add3A_188 {offsets = [0, 0], sizes = [512, 128], strides = [1, 1]} : vector<512x1024xf32> to vector<512x128xf32>
    %slice3A_190 = vector.extract_strided_slice %add3A_188 {offsets = [0, 128], sizes = [512, 128], strides = [1, 1]} : vector<512x1024xf32> to vector<512x128xf32>
    %slice3A_191 = vector.extract_strided_slice %add3A_188 {offsets = [0, 256], sizes = [512, 128], strides = [1, 1]} : vector<512x1024xf32> to vector<512x128xf32>
    %slice3A_192 = vector.extract_strided_slice %add3A_188 {offsets = [0, 384], sizes = [512, 128], strides = [1, 1]} : vector<512x1024xf32> to vector<512x128xf32>
    %slice3A_193 = vector.extract_strided_slice %add3A_188 {offsets = [0, 512], sizes = [512, 128], strides = [1, 1]} : vector<512x1024xf32> to vector<512x128xf32>
    %slice3A_194 = vector.extract_strided_slice %add3A_188 {offsets = [0, 640], sizes = [512, 128], strides = [1, 1]} : vector<512x1024xf32> to vector<512x128xf32>
    %slice3A_195 = vector.extract_strided_slice %add3A_188 {offsets = [0, 768], sizes = [512, 128], strides = [1, 1]} : vector<512x1024xf32> to vector<512x128xf32>
    %slice3A_196 = vector.extract_strided_slice %add3A_188 {offsets = [0, 896], sizes = [512, 128], strides = [1, 1]} : vector<512x1024xf32> to vector<512x128xf32>
    %lt3A_197 = arith.cmpf olt, %slice3A_190, %slice3A_189 : vector<512x128xf32>
    %select_n3A_198 = arith.select %lt3A_197, %slice3A_190, %slice3A_189 : vector<512x128xi1>, vector<512x128xf32>
    %jit3A_199 = arith.constant 2.500000e+01 : f32
    %jit3A_200 = arith.constant 2.400000e+01 : f32
    %broadcast_in_dim3A_201 = vector.broadcast %jit3A_199 : f32 to vector<512x128xf32>
    %broadcast_in_dim3A_202 = vector.broadcast %jit3A_200 : f32 to vector<512x128xf32>
    %select_n3A_203 = arith.select %lt3A_197, %broadcast_in_dim3A_201, %broadcast_in_dim3A_202 : vector<512x128xi1>, vector<512x128xf32>
    %lt3A_204 = arith.cmpf olt, %slice3A_192, %slice3A_191 : vector<512x128xf32>
    %select_n3A_205 = arith.select %lt3A_204, %slice3A_192, %slice3A_191 : vector<512x128xi1>, vector<512x128xf32>
    %jit3A_206 = arith.constant 2.700000e+01 : f32
    %jit3A_207 = arith.constant 2.600000e+01 : f32
    %broadcast_in_dim3A_208 = vector.broadcast %jit3A_206 : f32 to vector<512x128xf32>
    %broadcast_in_dim3A_209 = vector.broadcast %jit3A_207 : f32 to vector<512x128xf32>
    %select_n3A_210 = arith.select %lt3A_204, %broadcast_in_dim3A_208, %broadcast_in_dim3A_209 : vector<512x128xi1>, vector<512x128xf32>
    %lt3A_211 = arith.cmpf olt, %slice3A_194, %slice3A_193 : vector<512x128xf32>
    %select_n3A_212 = arith.select %lt3A_211, %slice3A_194, %slice3A_193 : vector<512x128xi1>, vector<512x128xf32>
    %jit3A_213 = arith.constant 2.900000e+01 : f32
    %jit3A_214 = arith.constant 2.800000e+01 : f32
    %broadcast_in_dim3A_215 = vector.broadcast %jit3A_213 : f32 to vector<512x128xf32>
    %broadcast_in_dim3A_216 = vector.broadcast %jit3A_214 : f32 to vector<512x128xf32>
    %select_n3A_217 = arith.select %lt3A_211, %broadcast_in_dim3A_215, %broadcast_in_dim3A_216 : vector<512x128xi1>, vector<512x128xf32>
    %lt3A_218 = arith.cmpf olt, %slice3A_196, %slice3A_195 : vector<512x128xf32>
    %select_n3A_219 = arith.select %lt3A_218, %slice3A_196, %slice3A_195 : vector<512x128xi1>, vector<512x128xf32>
    %jit3A_220 = arith.constant 3.100000e+01 : f32
    %jit3A_221 = arith.constant 3.000000e+01 : f32
    %broadcast_in_dim3A_222 = vector.broadcast %jit3A_220 : f32 to vector<512x128xf32>
    %broadcast_in_dim3A_223 = vector.broadcast %jit3A_221 : f32 to vector<512x128xf32>
    %select_n3A_224 = arith.select %lt3A_218, %broadcast_in_dim3A_222, %broadcast_in_dim3A_223 : vector<512x128xi1>, vector<512x128xf32>
    %lt3A_225 = arith.cmpf olt, %select_n3A_205, %select_n3A_198 : vector<512x128xf32>
    %select_n3A_226 = arith.select %lt3A_225, %select_n3A_205, %select_n3A_198 : vector<512x128xi1>, vector<512x128xf32>
    %select_n3A_227 = arith.select %lt3A_225, %select_n3A_210, %select_n3A_203 : vector<512x128xi1>, vector<512x128xf32>
    %lt3A_228 = arith.cmpf olt, %select_n3A_219, %select_n3A_212 : vector<512x128xf32>
    %select_n3A_229 = arith.select %lt3A_228, %select_n3A_219, %select_n3A_212 : vector<512x128xi1>, vector<512x128xf32>
    %select_n3A_230 = arith.select %lt3A_228, %select_n3A_224, %select_n3A_217 : vector<512x128xi1>, vector<512x128xf32>
    %lt3A_231 = arith.cmpf olt, %select_n3A_229, %select_n3A_226 : vector<512x128xf32>
    %select_n3A_232 = arith.select %lt3A_231, %select_n3A_229, %select_n3A_226 : vector<512x128xi1>, vector<512x128xf32>
    %select_n3A_233 = arith.select %lt3A_231, %select_n3A_230, %select_n3A_227 : vector<512x128xi1>, vector<512x128xf32>
    %lt3A_234 = arith.cmpf olt, %select_n3A_232, %select_n3A_175 : vector<512x128xf32>
    %select_n3A_235 = arith.select %lt3A_234, %select_n3A_232, %select_n3A_175 : vector<512x128xi1>, vector<512x128xf32>
    %select_n3A_236 = arith.select %lt3A_234, %select_n3A_233, %select_n3A_176 : vector<512x128xi1>, vector<512x128xf32>
    %get3A_237 = arith.constant 4096 : index
    %get3A_238 = arith.constant 0 : index
    %get3A_239 = vector.load %arg2[%get3A_237, %get3A_238] : memref<8192x256xbf16, #tpu.memory_space<vmem>>, vector<1024x256xbf16>
    %dot_general3A_240 = arith.constant dense<0.000000e+00> : vector<512x1024xf32>
    %dot_general3A_241 = tpu.matmul %convert_element_type3A_5, %get3A_239, %dot_general3A_240 {dimension_numbers = #tpu.dot_dimension_numbers<[1], [1], [0], [0], [0, 0, 1, 0], [], []>, transpose_lhs_hint = false} : vector<512x256xbf16>, vector<1024x256xbf16>, vector<512x1024xf32> -> vector<512x1024xf32>
    %add3A_242 = vector.broadcast %broadcast_in_dim3A : vector<512x1xf32> to vector<512x1024xf32>
    %add3A_243 = arith.addf %add3A_242, %dot_general3A_241 : vector<512x1024xf32>
    %get3A_244 = arith.constant 0 : index
    %get3A_245 = arith.constant 4096 : index
    %get3A_246 = vector.load %arg3[%get3A_244, %get3A_245] : memref<1x8192xf32, #tpu.memory_space<vmem>>, vector<1x1024xf32>
    %add3A_247 = vector.broadcast %get3A_246 : vector<1x1024xf32> to vector<512x1024xf32>
    %add3A_248 = arith.addf %add3A_243, %add3A_247 : vector<512x1024xf32>
    %slice3A_249 = vector.extract_strided_slice %add3A_248 {offsets = [0, 0], sizes = [512, 128], strides = [1, 1]} : vector<512x1024xf32> to vector<512x128xf32>
    %slice3A_250 = vector.extract_strided_slice %add3A_248 {offsets = [0, 128], sizes = [512, 128], strides = [1, 1]} : vector<512x1024xf32> to vector<512x128xf32>
    %slice3A_251 = vector.extract_strided_slice %add3A_248 {offsets = [0, 256], sizes = [512, 128], strides = [1, 1]} : vector<512x1024xf32> to vector<512x128xf32>
    %slice3A_252 = vector.extract_strided_slice %add3A_248 {offsets = [0, 384], sizes = [512, 128], strides = [1, 1]} : vector<512x1024xf32> to vector<512x128xf32>
    %slice3A_253 = vector.extract_strided_slice %add3A_248 {offsets = [0, 512], sizes = [512, 128], strides = [1, 1]} : vector<512x1024xf32> to vector<512x128xf32>
    %slice3A_254 = vector.extract_strided_slice %add3A_248 {offsets = [0, 640], sizes = [512, 128], strides = [1, 1]} : vector<512x1024xf32> to vector<512x128xf32>
    %slice3A_255 = vector.extract_strided_slice %add3A_248 {offsets = [0, 768], sizes = [512, 128], strides = [1, 1]} : vector<512x1024xf32> to vector<512x128xf32>
    %slice3A_256 = vector.extract_strided_slice %add3A_248 {offsets = [0, 896], sizes = [512, 128], strides = [1, 1]} : vector<512x1024xf32> to vector<512x128xf32>
    %lt3A_257 = arith.cmpf olt, %slice3A_250, %slice3A_249 : vector<512x128xf32>
    %select_n3A_258 = arith.select %lt3A_257, %slice3A_250, %slice3A_249 : vector<512x128xi1>, vector<512x128xf32>
    %jit3A_259 = arith.constant 3.300000e+01 : f32
    %jit3A_260 = arith.constant 3.200000e+01 : f32
    %broadcast_in_dim3A_261 = vector.broadcast %jit3A_259 : f32 to vector<512x128xf32>
    %broadcast_in_dim3A_262 = vector.broadcast %jit3A_260 : f32 to vector<512x128xf32>
    %select_n3A_263 = arith.select %lt3A_257, %broadcast_in_dim3A_261, %broadcast_in_dim3A_262 : vector<512x128xi1>, vector<512x128xf32>
    %lt3A_264 = arith.cmpf olt, %slice3A_252, %slice3A_251 : vector<512x128xf32>
    %select_n3A_265 = arith.select %lt3A_264, %slice3A_252, %slice3A_251 : vector<512x128xi1>, vector<512x128xf32>
    %jit3A_266 = arith.constant 3.500000e+01 : f32
    %jit3A_267 = arith.constant 3.400000e+01 : f32
    %broadcast_in_dim3A_268 = vector.broadcast %jit3A_266 : f32 to vector<512x128xf32>
    %broadcast_in_dim3A_269 = vector.broadcast %jit3A_267 : f32 to vector<512x128xf32>
    %select_n3A_270 = arith.select %lt3A_264, %broadcast_in_dim3A_268, %broadcast_in_dim3A_269 : vector<512x128xi1>, vector<512x128xf32>
    %lt3A_271 = arith.cmpf olt, %slice3A_254, %slice3A_253 : vector<512x128xf32>
    %select_n3A_272 = arith.select %lt3A_271, %slice3A_254, %slice3A_253 : vector<512x128xi1>, vector<512x128xf32>
    %jit3A_273 = arith.constant 3.700000e+01 : f32
    %jit3A_274 = arith.constant 3.600000e+01 : f32
    %broadcast_in_dim3A_275 = vector.broadcast %jit3A_273 : f32 to vector<512x128xf32>
    %broadcast_in_dim3A_276 = vector.broadcast %jit3A_274 : f32 to vector<512x128xf32>
    %select_n3A_277 = arith.select %lt3A_271, %broadcast_in_dim3A_275, %broadcast_in_dim3A_276 : vector<512x128xi1>, vector<512x128xf32>
    %lt3A_278 = arith.cmpf olt, %slice3A_256, %slice3A_255 : vector<512x128xf32>
    %select_n3A_279 = arith.select %lt3A_278, %slice3A_256, %slice3A_255 : vector<512x128xi1>, vector<512x128xf32>
    %jit3A_280 = arith.constant 3.900000e+01 : f32
    %jit3A_281 = arith.constant 3.800000e+01 : f32
    %broadcast_in_dim3A_282 = vector.broadcast %jit3A_280 : f32 to vector<512x128xf32>
    %broadcast_in_dim3A_283 = vector.broadcast %jit3A_281 : f32 to vector<512x128xf32>
    %select_n3A_284 = arith.select %lt3A_278, %broadcast_in_dim3A_282, %broadcast_in_dim3A_283 : vector<512x128xi1>, vector<512x128xf32>
    %lt3A_285 = arith.cmpf olt, %select_n3A_265, %select_n3A_258 : vector<512x128xf32>
    %select_n3A_286 = arith.select %lt3A_285, %select_n3A_265, %select_n3A_258 : vector<512x128xi1>, vector<512x128xf32>
    %select_n3A_287 = arith.select %lt3A_285, %select_n3A_270, %select_n3A_263 : vector<512x128xi1>, vector<512x128xf32>
    %lt3A_288 = arith.cmpf olt, %select_n3A_279, %select_n3A_272 : vector<512x128xf32>
    %select_n3A_289 = arith.select %lt3A_288, %select_n3A_279, %select_n3A_272 : vector<512x128xi1>, vector<512x128xf32>
    %select_n3A_290 = arith.select %lt3A_288, %select_n3A_284, %select_n3A_277 : vector<512x128xi1>, vector<512x128xf32>
    %lt3A_291 = arith.cmpf olt, %select_n3A_289, %select_n3A_286 : vector<512x128xf32>
    %select_n3A_292 = arith.select %lt3A_291, %select_n3A_289, %select_n3A_286 : vector<512x128xi1>, vector<512x128xf32>
    %select_n3A_293 = arith.select %lt3A_291, %select_n3A_290, %select_n3A_287 : vector<512x128xi1>, vector<512x128xf32>
    %lt3A_294 = arith.cmpf olt, %select_n3A_292, %select_n3A_235 : vector<512x128xf32>
    %select_n3A_295 = arith.select %lt3A_294, %select_n3A_292, %select_n3A_235 : vector<512x128xi1>, vector<512x128xf32>
    %select_n3A_296 = arith.select %lt3A_294, %select_n3A_293, %select_n3A_236 : vector<512x128xi1>, vector<512x128xf32>
    %get3A_297 = arith.constant 5120 : index
    %get3A_298 = arith.constant 0 : index
    %get3A_299 = vector.load %arg2[%get3A_297, %get3A_298] : memref<8192x256xbf16, #tpu.memory_space<vmem>>, vector<1024x256xbf16>
    %dot_general3A_300 = arith.constant dense<0.000000e+00> : vector<512x1024xf32>
    %dot_general3A_301 = tpu.matmul %convert_element_type3A_5, %get3A_299, %dot_general3A_300 {dimension_numbers = #tpu.dot_dimension_numbers<[1], [1], [0], [0], [0, 0, 1, 0], [], []>, transpose_lhs_hint = false} : vector<512x256xbf16>, vector<1024x256xbf16>, vector<512x1024xf32> -> vector<512x1024xf32>
    %add3A_302 = vector.broadcast %broadcast_in_dim3A : vector<512x1xf32> to vector<512x1024xf32>
    %add3A_303 = arith.addf %add3A_302, %dot_general3A_301 : vector<512x1024xf32>
    %get3A_304 = arith.constant 0 : index
    %get3A_305 = arith.constant 5120 : index
    %get3A_306 = vector.load %arg3[%get3A_304, %get3A_305] : memref<1x8192xf32, #tpu.memory_space<vmem>>, vector<1x1024xf32>
    %add3A_307 = vector.broadcast %get3A_306 : vector<1x1024xf32> to vector<512x1024xf32>
    %add3A_308 = arith.addf %add3A_303, %add3A_307 : vector<512x1024xf32>
    %slice3A_309 = vector.extract_strided_slice %add3A_308 {offsets = [0, 0], sizes = [512, 128], strides = [1, 1]} : vector<512x1024xf32> to vector<512x128xf32>
    %slice3A_310 = vector.extract_strided_slice %add3A_308 {offsets = [0, 128], sizes = [512, 128], strides = [1, 1]} : vector<512x1024xf32> to vector<512x128xf32>
    %slice3A_311 = vector.extract_strided_slice %add3A_308 {offsets = [0, 256], sizes = [512, 128], strides = [1, 1]} : vector<512x1024xf32> to vector<512x128xf32>
    %slice3A_312 = vector.extract_strided_slice %add3A_308 {offsets = [0, 384], sizes = [512, 128], strides = [1, 1]} : vector<512x1024xf32> to vector<512x128xf32>
    %slice3A_313 = vector.extract_strided_slice %add3A_308 {offsets = [0, 512], sizes = [512, 128], strides = [1, 1]} : vector<512x1024xf32> to vector<512x128xf32>
    %slice3A_314 = vector.extract_strided_slice %add3A_308 {offsets = [0, 640], sizes = [512, 128], strides = [1, 1]} : vector<512x1024xf32> to vector<512x128xf32>
    %slice3A_315 = vector.extract_strided_slice %add3A_308 {offsets = [0, 768], sizes = [512, 128], strides = [1, 1]} : vector<512x1024xf32> to vector<512x128xf32>
    %slice3A_316 = vector.extract_strided_slice %add3A_308 {offsets = [0, 896], sizes = [512, 128], strides = [1, 1]} : vector<512x1024xf32> to vector<512x128xf32>
    %lt3A_317 = arith.cmpf olt, %slice3A_310, %slice3A_309 : vector<512x128xf32>
    %select_n3A_318 = arith.select %lt3A_317, %slice3A_310, %slice3A_309 : vector<512x128xi1>, vector<512x128xf32>
    %jit3A_319 = arith.constant 4.100000e+01 : f32
    %jit3A_320 = arith.constant 4.000000e+01 : f32
    %broadcast_in_dim3A_321 = vector.broadcast %jit3A_319 : f32 to vector<512x128xf32>
    %broadcast_in_dim3A_322 = vector.broadcast %jit3A_320 : f32 to vector<512x128xf32>
    %select_n3A_323 = arith.select %lt3A_317, %broadcast_in_dim3A_321, %broadcast_in_dim3A_322 : vector<512x128xi1>, vector<512x128xf32>
    %lt3A_324 = arith.cmpf olt, %slice3A_312, %slice3A_311 : vector<512x128xf32>
    %select_n3A_325 = arith.select %lt3A_324, %slice3A_312, %slice3A_311 : vector<512x128xi1>, vector<512x128xf32>
    %jit3A_326 = arith.constant 4.300000e+01 : f32
    %jit3A_327 = arith.constant 4.200000e+01 : f32
    %broadcast_in_dim3A_328 = vector.broadcast %jit3A_326 : f32 to vector<512x128xf32>
    %broadcast_in_dim3A_329 = vector.broadcast %jit3A_327 : f32 to vector<512x128xf32>
    %select_n3A_330 = arith.select %lt3A_324, %broadcast_in_dim3A_328, %broadcast_in_dim3A_329 : vector<512x128xi1>, vector<512x128xf32>
    %lt3A_331 = arith.cmpf olt, %slice3A_314, %slice3A_313 : vector<512x128xf32>
    %select_n3A_332 = arith.select %lt3A_331, %slice3A_314, %slice3A_313 : vector<512x128xi1>, vector<512x128xf32>
    %jit3A_333 = arith.constant 4.500000e+01 : f32
    %jit3A_334 = arith.constant 4.400000e+01 : f32
    %broadcast_in_dim3A_335 = vector.broadcast %jit3A_333 : f32 to vector<512x128xf32>
    %broadcast_in_dim3A_336 = vector.broadcast %jit3A_334 : f32 to vector<512x128xf32>
    %select_n3A_337 = arith.select %lt3A_331, %broadcast_in_dim3A_335, %broadcast_in_dim3A_336 : vector<512x128xi1>, vector<512x128xf32>
    %lt3A_338 = arith.cmpf olt, %slice3A_316, %slice3A_315 : vector<512x128xf32>
    %select_n3A_339 = arith.select %lt3A_338, %slice3A_316, %slice3A_315 : vector<512x128xi1>, vector<512x128xf32>
    %jit3A_340 = arith.constant 4.700000e+01 : f32
    %jit3A_341 = arith.constant 4.600000e+01 : f32
    %broadcast_in_dim3A_342 = vector.broadcast %jit3A_340 : f32 to vector<512x128xf32>
    %broadcast_in_dim3A_343 = vector.broadcast %jit3A_341 : f32 to vector<512x128xf32>
    %select_n3A_344 = arith.select %lt3A_338, %broadcast_in_dim3A_342, %broadcast_in_dim3A_343 : vector<512x128xi1>, vector<512x128xf32>
    %lt3A_345 = arith.cmpf olt, %select_n3A_325, %select_n3A_318 : vector<512x128xf32>
    %select_n3A_346 = arith.select %lt3A_345, %select_n3A_325, %select_n3A_318 : vector<512x128xi1>, vector<512x128xf32>
    %select_n3A_347 = arith.select %lt3A_345, %select_n3A_330, %select_n3A_323 : vector<512x128xi1>, vector<512x128xf32>
    %lt3A_348 = arith.cmpf olt, %select_n3A_339, %select_n3A_332 : vector<512x128xf32>
    %select_n3A_349 = arith.select %lt3A_348, %select_n3A_339, %select_n3A_332 : vector<512x128xi1>, vector<512x128xf32>
    %select_n3A_350 = arith.select %lt3A_348, %select_n3A_344, %select_n3A_337 : vector<512x128xi1>, vector<512x128xf32>
    %lt3A_351 = arith.cmpf olt, %select_n3A_349, %select_n3A_346 : vector<512x128xf32>
    %select_n3A_352 = arith.select %lt3A_351, %select_n3A_349, %select_n3A_346 : vector<512x128xi1>, vector<512x128xf32>
    %select_n3A_353 = arith.select %lt3A_351, %select_n3A_350, %select_n3A_347 : vector<512x128xi1>, vector<512x128xf32>
    %lt3A_354 = arith.cmpf olt, %select_n3A_352, %select_n3A_295 : vector<512x128xf32>
    %select_n3A_355 = arith.select %lt3A_354, %select_n3A_352, %select_n3A_295 : vector<512x128xi1>, vector<512x128xf32>
    %select_n3A_356 = arith.select %lt3A_354, %select_n3A_353, %select_n3A_296 : vector<512x128xi1>, vector<512x128xf32>
    %get3A_357 = arith.constant 6144 : index
    %get3A_358 = arith.constant 0 : index
    %get3A_359 = vector.load %arg2[%get3A_357, %get3A_358] : memref<8192x256xbf16, #tpu.memory_space<vmem>>, vector<1024x256xbf16>
    %dot_general3A_360 = arith.constant dense<0.000000e+00> : vector<512x1024xf32>
    %dot_general3A_361 = tpu.matmul %convert_element_type3A_5, %get3A_359, %dot_general3A_360 {dimension_numbers = #tpu.dot_dimension_numbers<[1], [1], [0], [0], [0, 0, 1, 0], [], []>, transpose_lhs_hint = false} : vector<512x256xbf16>, vector<1024x256xbf16>, vector<512x1024xf32> -> vector<512x1024xf32>
    %add3A_362 = vector.broadcast %broadcast_in_dim3A : vector<512x1xf32> to vector<512x1024xf32>
    %add3A_363 = arith.addf %add3A_362, %dot_general3A_361 : vector<512x1024xf32>
    %get3A_364 = arith.constant 0 : index
    %get3A_365 = arith.constant 6144 : index
    %get3A_366 = vector.load %arg3[%get3A_364, %get3A_365] : memref<1x8192xf32, #tpu.memory_space<vmem>>, vector<1x1024xf32>
    %add3A_367 = vector.broadcast %get3A_366 : vector<1x1024xf32> to vector<512x1024xf32>
    %add3A_368 = arith.addf %add3A_363, %add3A_367 : vector<512x1024xf32>
    %slice3A_369 = vector.extract_strided_slice %add3A_368 {offsets = [0, 0], sizes = [512, 128], strides = [1, 1]} : vector<512x1024xf32> to vector<512x128xf32>
    %slice3A_370 = vector.extract_strided_slice %add3A_368 {offsets = [0, 128], sizes = [512, 128], strides = [1, 1]} : vector<512x1024xf32> to vector<512x128xf32>
    %slice3A_371 = vector.extract_strided_slice %add3A_368 {offsets = [0, 256], sizes = [512, 128], strides = [1, 1]} : vector<512x1024xf32> to vector<512x128xf32>
    %slice3A_372 = vector.extract_strided_slice %add3A_368 {offsets = [0, 384], sizes = [512, 128], strides = [1, 1]} : vector<512x1024xf32> to vector<512x128xf32>
    %slice3A_373 = vector.extract_strided_slice %add3A_368 {offsets = [0, 512], sizes = [512, 128], strides = [1, 1]} : vector<512x1024xf32> to vector<512x128xf32>
    %slice3A_374 = vector.extract_strided_slice %add3A_368 {offsets = [0, 640], sizes = [512, 128], strides = [1, 1]} : vector<512x1024xf32> to vector<512x128xf32>
    %slice3A_375 = vector.extract_strided_slice %add3A_368 {offsets = [0, 768], sizes = [512, 128], strides = [1, 1]} : vector<512x1024xf32> to vector<512x128xf32>
    %slice3A_376 = vector.extract_strided_slice %add3A_368 {offsets = [0, 896], sizes = [512, 128], strides = [1, 1]} : vector<512x1024xf32> to vector<512x128xf32>
    %lt3A_377 = arith.cmpf olt, %slice3A_370, %slice3A_369 : vector<512x128xf32>
    %select_n3A_378 = arith.select %lt3A_377, %slice3A_370, %slice3A_369 : vector<512x128xi1>, vector<512x128xf32>
    %jit3A_379 = arith.constant 4.900000e+01 : f32
    %jit3A_380 = arith.constant 4.800000e+01 : f32
    %broadcast_in_dim3A_381 = vector.broadcast %jit3A_379 : f32 to vector<512x128xf32>
    %broadcast_in_dim3A_382 = vector.broadcast %jit3A_380 : f32 to vector<512x128xf32>
    %select_n3A_383 = arith.select %lt3A_377, %broadcast_in_dim3A_381, %broadcast_in_dim3A_382 : vector<512x128xi1>, vector<512x128xf32>
    %lt3A_384 = arith.cmpf olt, %slice3A_372, %slice3A_371 : vector<512x128xf32>
    %select_n3A_385 = arith.select %lt3A_384, %slice3A_372, %slice3A_371 : vector<512x128xi1>, vector<512x128xf32>
    %jit3A_386 = arith.constant 5.100000e+01 : f32
    %jit3A_387 = arith.constant 5.000000e+01 : f32
    %broadcast_in_dim3A_388 = vector.broadcast %jit3A_386 : f32 to vector<512x128xf32>
    %broadcast_in_dim3A_389 = vector.broadcast %jit3A_387 : f32 to vector<512x128xf32>
    %select_n3A_390 = arith.select %lt3A_384, %broadcast_in_dim3A_388, %broadcast_in_dim3A_389 : vector<512x128xi1>, vector<512x128xf32>
    %lt3A_391 = arith.cmpf olt, %slice3A_374, %slice3A_373 : vector<512x128xf32>
    %select_n3A_392 = arith.select %lt3A_391, %slice3A_374, %slice3A_373 : vector<512x128xi1>, vector<512x128xf32>
    %jit3A_393 = arith.constant 5.300000e+01 : f32
    %jit3A_394 = arith.constant 5.200000e+01 : f32
    %broadcast_in_dim3A_395 = vector.broadcast %jit3A_393 : f32 to vector<512x128xf32>
    %broadcast_in_dim3A_396 = vector.broadcast %jit3A_394 : f32 to vector<512x128xf32>
    %select_n3A_397 = arith.select %lt3A_391, %broadcast_in_dim3A_395, %broadcast_in_dim3A_396 : vector<512x128xi1>, vector<512x128xf32>
    %lt3A_398 = arith.cmpf olt, %slice3A_376, %slice3A_375 : vector<512x128xf32>
    %select_n3A_399 = arith.select %lt3A_398, %slice3A_376, %slice3A_375 : vector<512x128xi1>, vector<512x128xf32>
    %jit3A_400 = arith.constant 5.500000e+01 : f32
    %jit3A_401 = arith.constant 5.400000e+01 : f32
    %broadcast_in_dim3A_402 = vector.broadcast %jit3A_400 : f32 to vector<512x128xf32>
    %broadcast_in_dim3A_403 = vector.broadcast %jit3A_401 : f32 to vector<512x128xf32>
    %select_n3A_404 = arith.select %lt3A_398, %broadcast_in_dim3A_402, %broadcast_in_dim3A_403 : vector<512x128xi1>, vector<512x128xf32>
    %lt3A_405 = arith.cmpf olt, %select_n3A_385, %select_n3A_378 : vector<512x128xf32>
    %select_n3A_406 = arith.select %lt3A_405, %select_n3A_385, %select_n3A_378 : vector<512x128xi1>, vector<512x128xf32>
    %select_n3A_407 = arith.select %lt3A_405, %select_n3A_390, %select_n3A_383 : vector<512x128xi1>, vector<512x128xf32>
    %lt3A_408 = arith.cmpf olt, %select_n3A_399, %select_n3A_392 : vector<512x128xf32>
    %select_n3A_409 = arith.select %lt3A_408, %select_n3A_399, %select_n3A_392 : vector<512x128xi1>, vector<512x128xf32>
    %select_n3A_410 = arith.select %lt3A_408, %select_n3A_404, %select_n3A_397 : vector<512x128xi1>, vector<512x128xf32>
    %lt3A_411 = arith.cmpf olt, %select_n3A_409, %select_n3A_406 : vector<512x128xf32>
    %select_n3A_412 = arith.select %lt3A_411, %select_n3A_409, %select_n3A_406 : vector<512x128xi1>, vector<512x128xf32>
    %select_n3A_413 = arith.select %lt3A_411, %select_n3A_410, %select_n3A_407 : vector<512x128xi1>, vector<512x128xf32>
    %lt3A_414 = arith.cmpf olt, %select_n3A_412, %select_n3A_355 : vector<512x128xf32>
    %select_n3A_415 = arith.select %lt3A_414, %select_n3A_412, %select_n3A_355 : vector<512x128xi1>, vector<512x128xf32>
    %select_n3A_416 = arith.select %lt3A_414, %select_n3A_413, %select_n3A_356 : vector<512x128xi1>, vector<512x128xf32>
    %get3A_417 = arith.constant 7168 : index
    %get3A_418 = arith.constant 0 : index
    %get3A_419 = vector.load %arg2[%get3A_417, %get3A_418] : memref<8192x256xbf16, #tpu.memory_space<vmem>>, vector<1024x256xbf16>
    %dot_general3A_420 = arith.constant dense<0.000000e+00> : vector<512x1024xf32>
    %dot_general3A_421 = tpu.matmul %convert_element_type3A_5, %get3A_419, %dot_general3A_420 {dimension_numbers = #tpu.dot_dimension_numbers<[1], [1], [0], [0], [0, 0, 1, 0], [], []>, transpose_lhs_hint = false} : vector<512x256xbf16>, vector<1024x256xbf16>, vector<512x1024xf32> -> vector<512x1024xf32>
    %add3A_422 = vector.broadcast %broadcast_in_dim3A : vector<512x1xf32> to vector<512x1024xf32>
    %add3A_423 = arith.addf %add3A_422, %dot_general3A_421 : vector<512x1024xf32>
    %get3A_424 = arith.constant 0 : index
    %get3A_425 = arith.constant 7168 : index
    %get3A_426 = vector.load %arg3[%get3A_424, %get3A_425] : memref<1x8192xf32, #tpu.memory_space<vmem>>, vector<1x1024xf32>
    %add3A_427 = vector.broadcast %get3A_426 : vector<1x1024xf32> to vector<512x1024xf32>
    %add3A_428 = arith.addf %add3A_423, %add3A_427 : vector<512x1024xf32>
    %slice3A_429 = vector.extract_strided_slice %add3A_428 {offsets = [0, 0], sizes = [512, 128], strides = [1, 1]} : vector<512x1024xf32> to vector<512x128xf32>
    %slice3A_430 = vector.extract_strided_slice %add3A_428 {offsets = [0, 128], sizes = [512, 128], strides = [1, 1]} : vector<512x1024xf32> to vector<512x128xf32>
    %slice3A_431 = vector.extract_strided_slice %add3A_428 {offsets = [0, 256], sizes = [512, 128], strides = [1, 1]} : vector<512x1024xf32> to vector<512x128xf32>
    %slice3A_432 = vector.extract_strided_slice %add3A_428 {offsets = [0, 384], sizes = [512, 128], strides = [1, 1]} : vector<512x1024xf32> to vector<512x128xf32>
    %slice3A_433 = vector.extract_strided_slice %add3A_428 {offsets = [0, 512], sizes = [512, 128], strides = [1, 1]} : vector<512x1024xf32> to vector<512x128xf32>
    %slice3A_434 = vector.extract_strided_slice %add3A_428 {offsets = [0, 640], sizes = [512, 128], strides = [1, 1]} : vector<512x1024xf32> to vector<512x128xf32>
    %slice3A_435 = vector.extract_strided_slice %add3A_428 {offsets = [0, 768], sizes = [512, 128], strides = [1, 1]} : vector<512x1024xf32> to vector<512x128xf32>
    %slice3A_436 = vector.extract_strided_slice %add3A_428 {offsets = [0, 896], sizes = [512, 128], strides = [1, 1]} : vector<512x1024xf32> to vector<512x128xf32>
    %lt3A_437 = arith.cmpf olt, %slice3A_430, %slice3A_429 : vector<512x128xf32>
    %select_n3A_438 = arith.select %lt3A_437, %slice3A_430, %slice3A_429 : vector<512x128xi1>, vector<512x128xf32>
    %jit3A_439 = arith.constant 5.700000e+01 : f32
    %jit3A_440 = arith.constant 5.600000e+01 : f32
    %broadcast_in_dim3A_441 = vector.broadcast %jit3A_439 : f32 to vector<512x128xf32>
    %broadcast_in_dim3A_442 = vector.broadcast %jit3A_440 : f32 to vector<512x128xf32>
    %select_n3A_443 = arith.select %lt3A_437, %broadcast_in_dim3A_441, %broadcast_in_dim3A_442 : vector<512x128xi1>, vector<512x128xf32>
    %lt3A_444 = arith.cmpf olt, %slice3A_432, %slice3A_431 : vector<512x128xf32>
    %select_n3A_445 = arith.select %lt3A_444, %slice3A_432, %slice3A_431 : vector<512x128xi1>, vector<512x128xf32>
    %jit3A_446 = arith.constant 5.900000e+01 : f32
    %jit3A_447 = arith.constant 5.800000e+01 : f32
    %broadcast_in_dim3A_448 = vector.broadcast %jit3A_446 : f32 to vector<512x128xf32>
    %broadcast_in_dim3A_449 = vector.broadcast %jit3A_447 : f32 to vector<512x128xf32>
    %select_n3A_450 = arith.select %lt3A_444, %broadcast_in_dim3A_448, %broadcast_in_dim3A_449 : vector<512x128xi1>, vector<512x128xf32>
    %lt3A_451 = arith.cmpf olt, %slice3A_434, %slice3A_433 : vector<512x128xf32>
    %select_n3A_452 = arith.select %lt3A_451, %slice3A_434, %slice3A_433 : vector<512x128xi1>, vector<512x128xf32>
    %jit3A_453 = arith.constant 6.100000e+01 : f32
    %jit3A_454 = arith.constant 6.000000e+01 : f32
    %broadcast_in_dim3A_455 = vector.broadcast %jit3A_453 : f32 to vector<512x128xf32>
    %broadcast_in_dim3A_456 = vector.broadcast %jit3A_454 : f32 to vector<512x128xf32>
    %select_n3A_457 = arith.select %lt3A_451, %broadcast_in_dim3A_455, %broadcast_in_dim3A_456 : vector<512x128xi1>, vector<512x128xf32>
    %lt3A_458 = arith.cmpf olt, %slice3A_436, %slice3A_435 : vector<512x128xf32>
    %select_n3A_459 = arith.select %lt3A_458, %slice3A_436, %slice3A_435 : vector<512x128xi1>, vector<512x128xf32>
    %jit3A_460 = arith.constant 6.300000e+01 : f32
    %jit3A_461 = arith.constant 6.200000e+01 : f32
    %broadcast_in_dim3A_462 = vector.broadcast %jit3A_460 : f32 to vector<512x128xf32>
    %broadcast_in_dim3A_463 = vector.broadcast %jit3A_461 : f32 to vector<512x128xf32>
    %select_n3A_464 = arith.select %lt3A_458, %broadcast_in_dim3A_462, %broadcast_in_dim3A_463 : vector<512x128xi1>, vector<512x128xf32>
    %lt3A_465 = arith.cmpf olt, %select_n3A_445, %select_n3A_438 : vector<512x128xf32>
    %select_n3A_466 = arith.select %lt3A_465, %select_n3A_445, %select_n3A_438 : vector<512x128xi1>, vector<512x128xf32>
    %select_n3A_467 = arith.select %lt3A_465, %select_n3A_450, %select_n3A_443 : vector<512x128xi1>, vector<512x128xf32>
    %lt3A_468 = arith.cmpf olt, %select_n3A_459, %select_n3A_452 : vector<512x128xf32>
    %select_n3A_469 = arith.select %lt3A_468, %select_n3A_459, %select_n3A_452 : vector<512x128xi1>, vector<512x128xf32>
    %select_n3A_470 = arith.select %lt3A_468, %select_n3A_464, %select_n3A_457 : vector<512x128xi1>, vector<512x128xf32>
    %lt3A_471 = arith.cmpf olt, %select_n3A_469, %select_n3A_466 : vector<512x128xf32>
    %select_n3A_472 = arith.select %lt3A_471, %select_n3A_469, %select_n3A_466 : vector<512x128xi1>, vector<512x128xf32>
    %select_n3A_473 = arith.select %lt3A_471, %select_n3A_470, %select_n3A_467 : vector<512x128xi1>, vector<512x128xf32>
    %lt3A_474 = arith.cmpf olt, %select_n3A_472, %select_n3A_415 : vector<512x128xf32>
    %select_n3A_475 = arith.select %lt3A_474, %select_n3A_472, %select_n3A_415 : vector<512x128xi1>, vector<512x128xf32>
    %select_n3A_476 = arith.select %lt3A_474, %select_n3A_473, %select_n3A_416 : vector<512x128xi1>, vector<512x128xf32>
    %reduce_min3A = arith.constant dense<0x7F800000> : vector<512xf32>
    %reduce_min3A_477 = vector.multi_reduction <minimumf>, %select_n3A_475, %reduce_min3A [1] : vector<512x128xf32> to vector<512xf32>
    %broadcast_in_dim3A_478 = vector.shape_cast %reduce_min3A_477 : vector<512xf32> to vector<512x1xf32>
    %mul3A_479 = arith.constant 1.280000e+02 : f32
    %mul3A_480 = vector.broadcast %mul3A_479 : f32 to vector<512x128xf32>
    %mul3A_481 = arith.mulf %select_n3A_476, %mul3A_480 : vector<512x128xf32>
    %get3A_482 = arith.constant 0 : index
    %get3A_483 = arith.constant 0 : index
    %get3A_484 = vector.load %arg4[%get3A_482, %get3A_483] : memref<1x8192xf32, #tpu.memory_space<vmem>>, vector<1x128xf32>
    %add3A_485 = vector.broadcast %get3A_484 : vector<1x128xf32> to vector<512x128xf32>
    %add3A_486 = arith.addf %mul3A_481, %add3A_485 : vector<512x128xf32>
    %eq3A_487 = vector.broadcast %broadcast_in_dim3A_478 : vector<512x1xf32> to vector<512x128xf32>
    %eq3A_488 = arith.cmpf oeq, %select_n3A_475, %eq3A_487 : vector<512x128xf32>
    %jit3A_489 = arith.constant 8.192000e+03 : f32
    %broadcast_in_dim3A_490 = vector.broadcast %jit3A_489 : f32 to vector<512x128xf32>
    %select_n3A_491 = arith.select %eq3A_488, %add3A_486, %broadcast_in_dim3A_490 : vector<512x128xi1>, vector<512x128xf32>
    %reduce_min3A_492 = arith.constant dense<0x7F800000> : vector<512xf32>
    %reduce_min3A_493 = vector.multi_reduction <minimumf>, %select_n3A_491, %reduce_min3A_492 [1] : vector<512x128xf32> to vector<512xf32>
    %broadcast_in_dim3A_494 = vector.shape_cast %reduce_min3A_493 : vector<512xf32> to vector<512x1xf32>
    %convert_element_type3A_495 = arith.fptosi %broadcast_in_dim3A_494 : vector<512x1xf32> to vector<512x1xi32>
    %reshape3A = vector.shape_cast %convert_element_type3A_495 : vector<512x1xi32> to vector<1x512xi32>
    %swap3A = arith.constant 0 : index
    %swap3A_496 = arith.constant 0 : index
    %swap3A_497 = vector.load %arg5[%swap3A, %swap3A_496] : memref<1x512xi32, #tpu.memory_space<vmem>>, vector<1x512xi32>
    tpu.vector_store %arg5[%swap3A, %swap3A_496], %reshape3A {strides = array<i32>} : memref<1x512xi32, #tpu.memory_space<vmem>>, vector<1x512xi32>,
    %get3A_498 = arith.constant 0 : index
    %get3A_499 = arith.constant 0 : index
    %get3A_500 = vector.load %arg6[%get3A_498, %get3A_499] : memref<1x1xf32, #tpu.memory_space<vmem>>, vector<1x1xf32>
    %reduce_sum3A_501 = vector.shape_cast %broadcast_in_dim3A_478 : vector<512x1xf32> to vector<1x512x1xf32>
    %reduce_sum3A_502 = arith.constant dense<0.000000e+00> : vector<1xf32>
    %reduce_sum3A_503 = vector.multi_reduction <add>, %reduce_sum3A_501, %reduce_sum3A_502 [1, 2] : vector<1x512x1xf32> to vector<1xf32>
    %reduce_sum3A_504 = vector.shape_cast %reduce_sum3A_503 : vector<1xf32> to vector<1x1x1xf32>
    %reduce_sum3A_505 = vector.extract %reduce_sum3A_504[0, 0, 0] : f32 from vector<1x1x1xf32>
    %reshape3A_506 = vector.broadcast %reduce_sum3A_505 : f32 to vector<1x1xf32>
    %add3A_507 = arith.addf %get3A_500, %reshape3A_506 : vector<1x1xf32>
    %swap3A_508 = arith.constant 0 : index
    %swap3A_509 = arith.constant 0 : index
    %swap3A_510 = vector.load %arg6[%swap3A_508, %swap3A_509] : memref<1x1xf32, #tpu.memory_space<vmem>>, vector<1x1xf32>
    tpu.vector_store %arg6[%swap3A_508, %swap3A_509], %add3A_507 {strides = array<i32>} : memref<1x1xf32, #tpu.memory_space<vmem>>, vector<1x1xf32>,
    %eq3A_511 = arith.constant 15 : i32
    %eq3A_512 = arith.cmpi eq, %arg0, %eq3A_511 : i32
    %convert_element_type3A_513 = arith.extui %eq3A_512 : i1 to i32
    %cond3A_514 = arith.constant 0 : i32
    %cond3A_515 = arith.cmpi ne, %convert_element_type3A_513, %cond3A_514 : i32
    scf.if %cond3A_515 {
      %get3A_516 = arith.constant 0 : index
      %get3A_517 = arith.constant 0 : index
      %get3A_518 = vector.load %arg6[%get3A_516, %get3A_517] : memref<1x1xf32, #tpu.memory_space<vmem>>, vector<1x1xf32>
      %mul3A_519 = arith.constant 5.96046448E-7 : f32
      %mul3A_520 = vector.broadcast %mul3A_519 : f32 to vector<1x1xf32>
      %mul3A_521 = arith.mulf %get3A_518, %mul3A_520 : vector<1x1xf32>
      %swap3A_522 = arith.constant 0 : index
      %swap3A_523 = arith.constant 0 : index
      %swap3A_524 = vector.load %arg6[%swap3A_522, %swap3A_523] : memref<1x1xf32, #tpu.memory_space<vmem>>, vector<1x1xf32>
      tpu.vector_store %arg6[%swap3A_522, %swap3A_523], %mul3A_521 {strides = array<i32>} : memref<1x1xf32, #tpu.memory_space<vmem>>, vector<1x1xf32>,
    } else {
    }
    return
  }
  func.func @transform_0(%arg0: i32) -> (i32, i32) {
    %c0_i32 = arith.constant 0 : i32
    %c0_i32_0 = arith.constant 0 : i32
    return %arg0, %c0_i32 : i32, i32
  }
  func.func @transform_1(%arg0: i32) -> (i32, i32) {
    %c0_i32 = arith.constant 0 : i32
    %c0_i32_0 = arith.constant 0 : i32
    %c0_i32_1 = arith.constant 0 : i32
    return %c0_i32, %c0_i32_0 : i32, i32
  }
  func.func @transform_2(%arg0: i32) -> (i32, i32) {
    %c0_i32 = arith.constant 0 : i32
    %c0_i32_0 = arith.constant 0 : i32
    %c0_i32_1 = arith.constant 0 : i32
    return %c0_i32, %c0_i32_0 : i32, i32
  }
  func.func @transform_3(%arg0: i32) -> (i32, i32) {
    %c0_i32 = arith.constant 0 : i32
    %c0_i32_0 = arith.constant 0 : i32
    %c0_i32_1 = arith.constant 0 : i32
    return %c0_i32, %c0_i32_0 : i32, i32
  }
  func.func @transform_4(%arg0: i32) -> (i32, i32) {
    %c0_i32 = arith.constant 0 : i32
    %c0_i32_0 = arith.constant 0 : i32
    return %c0_i32, %arg0 : i32, i32
  }
  func.func @transform_5(%arg0: i32) -> (i32, i32) {
    %c0_i32 = arith.constant 0 : i32
    %c0_i32_0 = arith.constant 0 : i32
    %c0_i32_1 = arith.constant 0 : i32
    return %c0_i32, %c0_i32_0 : i32, i32
  }
}

module attributes {stable_mosaic.version = 14 : i64} {
  func.func @_prep_body(%arg0: i32, %arg1: memref<1024x256xf32, #tpu.memory_space<vmem>>, %arg2: memref<1024x256xbf16, #tpu.memory_space<vmem>>, %arg3: memref<1x1024xf32, #tpu.memory_space<vmem>>) attributes {dimension_semantics = [#tpu.dimension_semantics<parallel>], iteration_bounds = array<i64: 8>, scalar_prefetch = 0 : i64, scratch_operands = 0 : i64, tpu.core_type = #tpu.core_type<tc>, window_params = [{transform_indices = @transform_0, window_bounds = array<i64: 1024, 256>}, {transform_indices = @transform_1, window_bounds = array<i64: 1024, 256>}, {transform_indices = @transform_2, window_bounds = array<i64: 1, 1024>}]} {
    %get3A = arith.constant 0 : index
    %get3A_0 = arith.constant 0 : index
    %get3A_1 = vector.load %arg1[%get3A, %get3A_0] : memref<1024x256xf32, #tpu.memory_space<vmem>>, vector<1024x256xf32>
    %mul3A = arith.constant -2.000000e+00 : f32
    %mul3A_2 = vector.broadcast %mul3A : f32 to vector<1024x256xf32>
    %mul3A_3 = arith.mulf %mul3A_2, %get3A_1 : vector<1024x256xf32>
    %convert_element_type3A = arith.truncf %mul3A_3 : vector<1024x256xf32> to vector<1024x256xbf16>
    %swap3A = arith.constant 0 : index
    %swap3A_4 = arith.constant 0 : index
    %swap3A_5 = vector.load %arg2[%swap3A, %swap3A_4] : memref<1024x256xbf16, #tpu.memory_space<vmem>>, vector<1024x256xbf16>
    tpu.vector_store %arg2[%swap3A, %swap3A_4], %convert_element_type3A {strides = array<i32>} : memref<1024x256xbf16, #tpu.memory_space<vmem>>, vector<1024x256xbf16>,
    %mul3A_6 = arith.mulf %get3A_1, %get3A_1 : vector<1024x256xf32>
    %reduce_sum3A = arith.constant dense<0.000000e+00> : vector<1024xf32>
    %reduce_sum3A_7 = vector.multi_reduction <add>, %mul3A_6, %reduce_sum3A [1] : vector<1024x256xf32> to vector<1024xf32>
    %broadcast_in_dim3A = vector.shape_cast %reduce_sum3A_7 : vector<1024xf32> to vector<1024x1xf32>
    %transpose3A = tpu.transpose %broadcast_in_dim3A, [1, 0] : vector<1024x1xf32> -> vector<1x1024xf32>
    %swap3A_8 = arith.constant 0 : index
    %swap3A_9 = arith.constant 0 : index
    %swap3A_10 = vector.load %arg3[%swap3A_8, %swap3A_9] : memref<1x1024xf32, #tpu.memory_space<vmem>>, vector<1x1024xf32>
    tpu.vector_store %arg3[%swap3A_8, %swap3A_9], %transpose3A {strides = array<i32>} : memref<1x1024xf32, #tpu.memory_space<vmem>>, vector<1x1024xf32>,
    return
  }
  func.func @transform_0(%arg0: i32) -> (i32, i32) {
    %c0_i32 = arith.constant 0 : i32
    %c0_i32_0 = arith.constant 0 : i32
    return %arg0, %c0_i32 : i32, i32
  }
  func.func @transform_1(%arg0: i32) -> (i32, i32) {
    %c0_i32 = arith.constant 0 : i32
    %c0_i32_0 = arith.constant 0 : i32
    return %arg0, %c0_i32 : i32, i32
  }
  func.func @transform_2(%arg0: i32) -> (i32, i32) {
    %c0_i32 = arith.constant 0 : i32
    %c0_i32_0 = arith.constant 0 : i32
    return %c0_i32, %arg0 : i32, i32
  }
}

</mosaic_0001>

<sc_bundles>
// kernel: kernel.5.cloned.1.call-start
scs
__scs_entry_jumppad:
0x0: {  	(pc) =	sbr.rel $0x88, $3  }
0x1: {  	(tag) =	ssettag $0x0;
	lr =	simm.s32 $0x1  }
0x2: {  	[smem:$0x3F9F] =	sst lr;
	_ =	strace $0xD0000000  }
0x3: {  	_ = 	snop  }
0x4: {  	_ = 	snop  }
0x5: {  	_ = 	snop  }
0x6: {  	_ = 	snop  }
0x7: {  	_ = 	snop  }
__scs_overlays_trampoline_lowered:
0x8: {  	[smem:$0x3FAE] =	sst s0  }
0x9: {  	[smem:$0x3FAF] =	sst s1  }
0xa: {  	[smem:$0x3FB0] =	sst s2  }
0xb: {  	[smem:$0x3FB1] =	sst s3  }
0xc: {  	[smem:$0x3FB2] =	sst s4  }
0xd: {  	[smem:$0x3FB3] =	sst s5  }
0xe: {  	[smem:$0x3FB4] =	sst s6  }
0xf: {  	[smem:$0x3FB5] =	sst s7  }
0x10: {  	[smem:$0x3FB6] =	sst s8  }
0x11: {  	[smem:$0x3FB7] =	sst s9;
	s0 =	simm.s32 @!p0 $0x0  }
0x12: {  	s1 =	sld [smem:$0x3F9D];
	s0 =	simm.s32 @p0 $0x1  }
0x13: {  	[smem:$0x3FB8] =	sst s0;
	s0 =	simm.s32 @!p1 $0x0  }
0x14: {  	s2 =	sld [smem:$0x3F9C];
	s0 =	simm.s32 @p1 $0x1  }
0x15: {  	[smem:$0x3FB9] =	sst s0;
	s0 =	simm.s32 @!p2 $0x0  }
0x16: {  	s3 =	sld [smem:$0x3FDB];
	s0 =	simm.s32 @p2 $0x1  }
0x17: {  	s4 =	simm.s32 $0x1BF5;
	[smem:$0x3FBB] =	sst s0  }
0x18: {  	s0 =	sld [smem:$0x3F9E];
	_ =	swait.ge [sflag:s4], $0x0  }
0x19: {  	s7 =	sld [smem:$0x3F9F]  }
0x1a: {  	s8 =	sadd.s32 $0xFFFFE003, lr  }
0x1b: {  	s9 =	sadd.s32 $0xFFFFFEF7, lr;
	s5 =	simm.s32 $0xFFFFFFFF;
	p2 =	slt.u32 s8, $0xFFFFF086  }
0x1c: {  	p1 =	slt.u32 s9, $0xF7A;
	s5 =	simm.s32 @!p2 $0x0  }
0x1d: {  	s5 =	simm.s32 @p1 $0x1;
	p0 =	seq.s32 s7, s2  }
0x1e: {  	s7 =	smul.u32 @!p0 $0xF7A, s2;
	p2 =	seq.s32 @!p0 s5, $0x0  }
0x1f: {  	s9 =	smul.u32 $0xF7A, s1;
	s8 =	simm.s32 @!p0 $0x1BF5;
	p2 =	por !p2, p0  }
0x20: {  	[sflag:s8] =	ssyncset.s32 @!p0 $0xFFFFF086;
	s6 =	sadd.s32 @!p0 s3, s7;
	s7 =	simm.s32 @!p0 $0x108  }
0x21: {  	s3 =	sadd.s32 s3, s9;
	s6 =	sadd.s32 @!p0 $0x88, s6;
	s7 =	simm.s32 @p2 $0x1082  }
0x22: {  	[simem:s7], [sflag:s8] =	dma.local @!p0 [hbm:s6], $0xF7A  }
0x23: {  	s9 =	sor.u32 $0xD0000000, s2;
	s6 =	simm.s32 $0x108;
	_ =	swait.ge @!p0 [sflag:s8], $0x0  }
0x24: {  	s3 =	sadd.s32 $0x88, s3;
	s6 =	simm.s32 @!p1 $0x1082;
	[sflag:s4] =	ssyncset.s32 $0xFFFFF086  }
0x25: {  	[simem:s6], [sflag:s4] =	dma.local [hbm:s3], $0xF7A  }
0x26: {  	[smem:$0x3F9F] =	sst s1;
	(tag) =	ssettag s2;
	_ =	strace s9  }
0x27: {  	s1 =	sld [smem:$0x3FAF]  }
0x28: {  	s2 =	sld [smem:$0x3FB0]  }
0x29: {  	s4 =	sld [smem:$0x3FB2]  }
0x2a: {  	p0 =	seq.s32 s5, $0x0;
	s5 =	sld [smem:$0x3FB3]  }
0x2b: {  	s6 =	sld [smem:$0x3FB4]  }
0x2c: {  	s7 =	sld [smem:$0x3FB5]  }
0x2d: {  	s3 =	simm.s32 $0x108;
	s8 =	sld [smem:$0x3FB6]  }
0x2e: {  	s3 =	simm.s32 @!p0 $0x1082;
	s9 =	sld [smem:$0x3FB7]  }
0x2f: {  	lr =	sadd.s32 s0, s3;
	s0 =	sld [smem:$0x3FAE]  }
0x30: {  	s3 =	sld [smem:$0x3FB1]  }
0x31: {  	[smem:$0x3FBA] =	sst s10  }
0x32: {  	s10 =	sld [smem:$0x3FB8];
	_ =	sdelay $0x3  }
0x33: {  	p0 =	seq.s32 s10, $0x1;
	s10 =	sld [smem:$0x3FBA];
	_ =	sdelay $0x3  }
0x34: {  	[smem:$0x3FBA] =	sst s10  }
0x35: {  	s10 =	sld [smem:$0x3FB9];
	_ =	sdelay $0x3  }
0x36: {  	p1 =	seq.s32 s10, $0x1;
	s10 =	sld [smem:$0x3FBA];
	_ =	sdelay $0x3  }
0x37: {  	[smem:$0x3FBA] =	sst s10  }
0x38: {  	s10 =	sld [smem:$0x3FBB]  }
0x39: {  	_ = 	snop;
	(pc) =	sbr.ind lr, $3  }
0x3a: {  	_ = 	snop  }
0x3b: {  	_ = 	snop  }
0x3c: {  	p2 =	seq.s32 s10, $0x1;
	s10 =	sld [smem:$0x3FBA]  }
0x3d: {  	_ =	shalt  }
0x3e: {  	_ =	shalt  }
0x3f: {  	_ =	shalt  }
0x40: {  	_ =	shalt  }
0x41: {  	_ =	shalt  }
0x42: {  	_ =	shalt  }
0x43: {  	_ =	shalt  }
0x44: {  	_ =	shalt  }
0x45: {  	_ =	shalt  }
0x46: {  	_ =	shalt  }
0x47: {  	_ =	shalt  }
0x48: {  	_ =	shalt  }
0x49: {  	_ =	shalt  }
0x4a: {  	_ =	shalt  }
0x4b: {  	_ =	shalt  }
0x4c: {  	_ =	shalt  }
0x4d: {  	_ =	shalt  }
0x4e: {  	_ =	shalt  }
0x4f: {  	_ =	shalt  }
0x50: {  	_ =	shalt  }
0x51: {  	_ =	shalt  }
0x52: {  	_ =	shalt  }
0x53: {  	_ =	shalt  }
0x54: {  	_ =	shalt  }
0x55: {  	_ =	shalt  }
0x56: {  	_ =	shalt  }
0x57: {  	_ =	shalt  }
0x58: {  	_ =	shalt  }
0x59: {  	_ =	shalt  }
0x5a: {  	_ =	shalt  }
0x5b: {  	_ =	shalt  }
0x5c: {  	_ =	shalt  }
0x5d: {  	_ =	shalt  }
0x5e: {  	_ =	shalt  }
0x5f: {  	_ =	shalt  }
0x60: {  	_ =	shalt  }
0x61: {  	_ =	shalt  }
0x62: {  	_ =	shalt  }
0x63: {  	_ =	shalt  }
0x64: {  	_ =	shalt  }
0x65: {  	_ =	shalt  }
0x66: {  	_ =	shalt  }
0x67: {  	_ =	shalt  }
0x68: {  	_ =	shalt  }
0x69: {  	_ =	shalt  }
0x6a: {  	_ =	shalt  }
0x6b: {  	_ =	shalt  }
0x6c: {  	_ =	shalt  }
0x6d: {  	_ =	shalt  }
0x6e: {  	_ =	shalt  }
0x6f: {  	_ =	shalt  }
0x70: {  	_ =	shalt  }
0x71: {  	_ =	shalt  }
0x72: {  	_ =	shalt  }
0x73: {  	_ =	shalt  }
0x74: {  	_ =	shalt  }
0x75: {  	_ =	shalt  }
0x76: {  	_ =	shalt  }
0x77: {  	_ =	shalt  }
0x78: {  	_ =	shalt  }
0x79: {  	_ =	shalt  }
0x7a: {  	_ =	shalt  }
0x7b: {  	_ =	shalt  }
0x7c: {  	_ =	shalt  }
0x7d: {  	_ =	shalt  }
0x7e: {  	_ =	shalt  }
0x7f: {  	_ =	shalt  }
0x80: {  	_ =	shalt  }
0x81: {  	_ =	shalt  }
0x82: {  	_ =	shalt  }
0x83: {  	_ =	shalt  }
0x84: {  	_ =	shalt  }
0x85: {  	_ =	shalt  }
0x86: {  	_ =	shalt  }
0x87: {  	_ =	shalt  }
.Lfunc_end0:
.L_simem_size_0:
called_computation_lowered:
.L_overlay_start_0:
0x88: {  	s2 =	sld [smem:$0x3FD9]  }
0x89: {  	s3 =	sld [smem:$0x3FFE];
	_ =	sdelay $0x1  }
0x8a: {  	s1 =	srdreg.scid  }
0x8b: {  	s0 =	sand.u32 $0x1, s1  }
0x8c: {  	s14 =	sshll.u32 s0, $0xA;
	s2 =	sadd.s32 s3, s2  }
0x8d: {  	s2 =	sadd.s32 s2, s14  }
0x8e: {  	[smem:$0x3FC6] =	sst s2  }
0x8f: {  	_ = 	snop  }
0x90: {  	s2 =	sld [smem:$0x3FD0];
	_ =	sdelay $0x2  }
0x91: {  	s4 =	simm.s32 $0xA;
	s5 =	simm.s32 $0x10;
	s15 =	sld [smem:$0x3FC8]  }
0x92: {  	[smem:s5], [sflag:s4] =	dma.local [hbm:s2], $0x1  }
0x93: {  	_ =	swait.eq [sflag:s4], $0x1  }
0x94: {  	[sflag:s4] =	ssyncset.done $0x0  }
0x95: {  	[sflag:s4] =	ssyncadd.s32 $0xFFFFFFFF  }
0x96: {  	s16 =	sld [smem:$0x10];
	(tm) =	ssettm $0x1  }
0x97: {  	s17 =	sld [smem:$0x3FFB];
	_ =	sdelay $0x3  }
0x98: {  	_ =	strace s17  }
0x99: {  	s4 =	sld [smem:$0x3FFC];
	_ =	sdelay $0x3  }
0x9a: {  	_ =	strace s4  }
0x9b: {  	s4 =	sld [smem:$0x3FFD];
	_ =	sdelay $0x3  }
0x9c: {  	_ =	strace s4  }
0x9d: {  	_ =	strace $0x8FFFFFFF  }
0x9e: {  	s18 =	sld [smem:$0x3FDB];
	_ =	sdelay $0x1  }
0x9f: {  	s19 =	simm.s32 $_scs_section_size  }
0xa0: {  	s6 =	simm.s32 $_size__tile_overlayer_lowered;
	s7 =	simm.s32 $_tile_overlayer_lowered  }
0xa1: {  	s22 =	simm.s32 $0x1BFF;
	s21 =	sshll.u32 s7, $0x1;
	s4 =	sadd.s32 s19, s18  }
0xa2: {  	s8 =	simm.s32 $0x0;
	s20 =	sshll.u32 s6, $0x1;
	s6 =	sadd.s32 s21, s4  }
0xa3: {  	[timem:s8], [sflag:s22] =	dma.local [hbm:s6], s20  }
0xa4: {  	_ =	swait.ge [sflag:s22], s20  }
0xa5: {  	s5 =	ssub.s32 $0x0, s20;
	[sflag:s22] =	ssyncset.done $0x0  }
0xa6: {  	[sflag:s22] =	ssyncadd.s32 s5;
	_ =	sdelay $0x1  }
0xa7: {  	s23 =	simm.s32 $0x1B8B  }
0xa8: {  	_ =	swait.ge [sflag:s23], $0x1  }
0xa9: {  	[sflag:s23] =	ssyncset.done $0x0  }
0xaa: {  	s25 =	simm.s32 $0x1B8E;
	s24 =	sld [smem:$0x3FFE];
	[sflag:s23] =	ssyncadd.s32 $0xFFFFFFFF  }
0xab: {  	s26 =	simm.s32 $execute0_lowered;
	[smem:$0x3FD2] =	sst s25  }
0xac: {  	s6 =	sshll.u32 s26, $0x1;
	_ =	strace $0x80000046;
	[dreg:$0x1] =	wrdreg $0xFFFFFFFF  }
0xad: {  	s28 =	simm.s32 $_size_execute0_lowered;
	s4 =	sadd.s32 s4, s6;
	[dreg:$0x0] =	wrdreg $0x0  }
0xae: {  	s6 =	sshll.u32 s28, $0x1;
	[dreg:$0x2] =	wrdreg s4  }
0xaf: {  	[dreg:$0x3] =	wrdreg s6  }
0xb0: {  	[dreg:$0x4] =	wrdreg $0xC0  }
0xb1: {  	_ =	task [dreg:s8], $0x5FFFF  }
0xb2: {  	[dreg:$0x1] =	wrdreg $0xFFFFFFFF  }
0xb3: {  	[dreg:$0x0] =	wrdreg $0x60  }
0xb4: {  	[dreg:$0x2] =	wrdreg s15  }
0xb5: {  	[dreg:$0x3] =	wrdreg s24  }
0xb6: {  	[dreg:$0x4] =	wrdreg s16  }
0xb7: {  	[dreg:$0x5] =	wrdreg $0x9  }
0xb8: {  	_ =	task.clear_ibuf [dreg:s8], $0x6FFFF;
	_ =	strace $0x90000046  }
0xb9: {  	s29 =	simm.s32 $0x9;
	_ =	strace $0x80000048  }
0xba: {  	_ =	swait.ge [sflag:s29], $0x1  }
0xbb: {  	[sflag:s29] =	ssyncadd.s32 $0xFFFFFFFF  }
0xbc: {  	_ =	strace $0x90000048  }
0xbd: {  	_ =	sfence  }
0xbe: {  	s30 =	sld [smem:$0x0];
	_ =	sdelay $0x2  }
0xbf: {  	s31 =	sshll.u32 s1, $0xD;
	s1 =	sshrl.u32 s1, $0x2  }
0xc0: {  	s3 =	sand.u32 $0x4000, s31;
	s1 =	sadd.s32 s1, s30  }
0xc1: {  	s0 =	sor.u32 s3, s0;
	s1 =	sshll.u32 s1, $0x11  }
0xc2: {  	s0 =	sor.u32 s1, s0  }
0xc3: {  	s0 =	sadd.s32 $0x8F2B, s0  }
0xc4: {  	[sflag:s0] =	ssyncadd.remote.s32 $0x1  }
0xc5: {  	_ =	sfence.sel $0xFFFF  }
0xc6: {  	[dreg:$0x0] =	wrdreg $0xFFFFFFFF;
	(pc) =	sbr.abs _section_cstart, $3  }
0xc7: {  	[dreg:$0x1] =	wrdreg $0xFFFFFFFF  }
0xc8: {  	_ =	task.clear_ibuf [dreg:s8], $0x2FFFF;
	_ =	strace $0x9FFFFFFF  }
0xc9: {  	(tm) =	ssettm $0x7FFFFFFF  }
tec
execute0_lowered:
.L_overlay_start_1:
0x0: {  	(tag) =	ssettag $0x1  }
0x1: {  	s1 =	rddreg [dreg:$0x0]  }
0x2: {  	s2 =	srdreg.scid;
	s4 =	rddreg [dreg:$0x1]  }
0x3: {  	s0 =	stileid.u32;
	s6 =	rddreg [dreg:$0x2];
	s19 =	simm.s32 $0x900  }
0x4: {  	s20 =	simm.s32 $0x1100;
	s21 =	simm.s32 $0x1900;
	s23 =	simm.s32 $0x2100  }
0x5: {  	s24 =	simm.s32 $0x2900;
	s25 =	simm.s32 $0x3100;
	s26 =	simm.s32 $0x3900  }
0x6: {  	s8 =	simm.s32 $0x4900;
	s9 =	simm.s32 $0x5100;
	s10 =	simm.s32 $0x5900  }
0x7: {  	s11 =	simm.s32 $0x6100;
	s12 =	simm.s32 $0x6900;
	s13 =	simm.s32 $0x7100  }
0x8: {  	s14 =	simm.s32 $0x7900;
	s15 =	simm.s32 $0x8100;
	s2 =	sand.u32 $0x1, s2  }
0x9: {  	s16 =	simm.s32 $0x8900;
	s3 =	sshll.u32 s0, $0x9;
	s5 =	sshll.u32 s2, $0x8  }
0xa: {  	s17 =	simm.s32 $0x9100;
	s5 =	sor.u32 s5, s3;
	s3 =	simm.s32 $0x0  }
0xb: {  	s28 =	simm.s32 $0xE100;
	s29 =	simm.s32 $0xE900;
	[smem:$0x7FF] =	sst s3  }
0xc: {  	s30 =	simm.s32 $0xF100;
	_ =	strace $0x80000047;
	[dreg:$0x6] =	wrdreg s19  }
0xd: {  	s31 =	simm.s32 $0xF900;
	s2 =	ssub.s32 $0x2, s2;
	[dreg:$0x7] =	wrdreg s20  }
0xe: {  	s22 =	sshrl.u32 s2, $0x1;
	s7 =	sshrl.u32 s5, $0x3;
	[dreg:$0x8] =	wrdreg s21  }
0xf: {  	s5 =	sshll.u32 s5, $0x5;
	s2 =	ssub.s32 s2, s22;
	[dreg:$0x9] =	wrdreg s23  }
0x10: {  	s22 =	simm.s32 $0xB900;
	s4 =	sadd.s32 s7, s4;
	[dreg:$0xa] =	wrdreg s24  }
0x11: {  	s18 =	sadd.s32 s6, s5;
	s5 =	simm.s32 $0x2;
	[dreg:$0xb] =	wrdreg s25  }
0x12: {  	s6 =	simm.s32 $0x100;
	[dreg:$0xc] =	wrdreg s26;
	s19 =	simm.s32 $0xA100  }
0x13: {  	s20 =	simm.s32 $0xA900;
	s21 =	simm.s32 $0xB100;
	s23 =	simm.s32 $0xC100  }
0x14: {  	v2 =	vlaneseq.u32;
	s24 =	simm.s32 $0xC900;
	s25 =	simm.s32 $0xD100;
	s26 =	simm.s32 $0xD900  }
0x15: {  	vm0 =	vmmov $0xffff;
	v1 =	vshrl.u32 v2, $0x3;
	s4 =	sadd.s32 $0xC00, s4;
	[dreg:$0x5] =	wrdreg s18;
	s18 =	simm.s32 $0x9900  }
0x16: {  	v0 =	vand.u32 $0x7, v2;
	v2 =	vor.u32 $0x8, v2;
	v1 =	vmul.u32 $0x8, v1;
	[dreg:$0x4] =	wrdreg s4;
	s4 =	smax.u32 s2, $0x1;
	s2 =	simm.s32 $0x1  }
.LBB2_1:
0x17: {  	s0 =	rddreg [dreg:$0x4]  }
0x18: {  	[tilespmem:s3], [sflag:$0x2] =	stream.linear.gather [hbm4b:s0+s3], $0x100, $0x38;
	[tilespmem:$0x10100] =	vst v63  }
0x19: {  	_ =	swait.ge [sflag:s5], $0x100  }
0x1a: {  	[sflag:s5] =	ssyncset.done $0x0  }
0x1b: {  	[sflag:s5] =	ssyncadd.s32 $0xFFFFFF00  }
0x1c: {  	v3 =	vld [tilespmem:$0x0];
	_ =	sdelay $0x4  }
0x1d: {  	v4 =	vshll.u32 v3, $0x1  }
0x1e: {  	v3 =	vand.u32 $0x7, v3;
	v4 =	vand.u32 $0xFFFFFFF0, v4  }
0x1f: {  	v3 =	vor.u32 v3, v4  }
0x20: {  	v4 =	vperm.xlane v3, v0;
	_ =	sdelay $0x1  }
0x21: {  	v3 =	vperm.xlane v3, v2;
	v4 =	vadd.s32 v1, v4;
	_ =	sdelay $0x1  }
0x22: {  	v3 =	vadd.s32 v1, v3;
	_ =	sdelay $0x2  }
0x23: {  	[tilespmem:s6], [sflag:$0x1] =	stream.indirect_vreg.gather [hbm4b:s1+s3], $0x80, v4, vm0, $0xb8;
	[tilespmem:$0x10100] =	vst v63  }
0x24: {  	s7 =	rddreg [dreg:$0x6]  }
0x25: {  	[tilespmem:s7], [sflag:$0x1] =	stream.indirect_vreg.gather [hbm4b:s1+s3], $0x80, v3, vm0, $0xb8;
	[tilespmem:$0x10100] =	vst v63  }
0x26: {  	v3 =	vld [tilespmem:$0x10];
	_ =	sdelay $0x4  }
0x27: {  	v49 =	vshll.u32 v3, $0x1  }
0x28: {  	v3 =	vand.u32 $0x7, v3;
	v4 =	vand.u32 $0xFFFFFFF0, v49  }
0x29: {  	v3 =	vor.u32 v3, v4  }
0x2a: {  	v4 =	vperm.xlane v3, v0;
	_ =	sdelay $0x1  }
0x2b: {  	v3 =	vperm.xlane v3, v2;
	v4 =	vadd.s32 v1, v4;
	_ =	sdelay $0x1  }
0x2c: {  	v3 =	vadd.s32 v1, v3;
	_ =	sdelay $0x1  }
0x2d: {  	s0 =	rddreg [dreg:$0x7]  }
0x2e: {  	[tilespmem:s0], [sflag:$0x1] =	stream.indirect_vreg.gather [hbm4b:s1+s3], $0x80, v4, vm0, $0xb8;
	[tilespmem:$0x10100] =	vst v63  }
0x2f: {  	s7 =	rddreg [dreg:$0x8]  }
0x30: {  	[tilespmem:s7], [sflag:$0x1] =	stream.indirect_vreg.gather [hbm4b:s1+s3], $0x80, v3, vm0, $0xb8;
	[tilespmem:$0x10100] =	vst v63  }
0x31: {  	v3 =	vld [tilespmem:$0x20];
	_ =	sdelay $0x4  }
0x32: {  	v50 =	vshll.u32 v3, $0x1  }
0x33: {  	v3 =	vand.u32 $0x7, v3;
	v4 =	vand.u32 $0xFFFFFFF0, v50  }
0x34: {  	v3 =	vor.u32 v3, v4  }
0x35: {  	v4 =	vperm.xlane v3, v0;
	_ =	sdelay $0x1  }
0x36: {  	v3 =	vperm.xlane v3, v2;
	v4 =	vadd.s32 v1, v4;
	_ =	sdelay $0x1  }
0x37: {  	v3 =	vadd.s32 v1, v3;
	_ =	sdelay $0x1  }
0x38: {  	s0 =	rddreg [dreg:$0x9]  }
0x39: {  	[tilespmem:s0], [sflag:$0x1] =	stream.indirect_vreg.gather [hbm4b:s1+s3], $0x80, v4, vm0, $0xb8;
	[tilespmem:$0x10100] =	vst v63  }
0x3a: {  	s7 =	rddreg [dreg:$0xa]  }
0x3b: {  	[tilespmem:s7], [sflag:$0x1] =	stream.indirect_vreg.gather [hbm4b:s1+s3], $0x80, v3, vm0, $0xb8;
	[tilespmem:$0x10100] =	vst v63  }
0x3c: {  	v3 =	vld [tilespmem:$0x30];
	_ =	sdelay $0x4  }
0x3d: {  	v51 =	vshll.u32 v3, $0x1  }
0x3e: {  	v3 =	vand.u32 $0x7, v3;
	v4 =	vand.u32 $0xFFFFFFF0, v51  }
0x3f: {  	v3 =	vor.u32 v3, v4  }
0x40: {  	v4 =	vperm.xlane v3, v0;
	_ =	sdelay $0x1  }
0x41: {  	v3 =	vperm.xlane v3, v2;
	v4 =	vadd.s32 v1, v4;
	_ =	sdelay $0x1  }
0x42: {  	v3 =	vadd.s32 v1, v3;
	_ =	sdelay $0x1  }
0x43: {  	s0 =	rddreg [dreg:$0xb]  }
0x44: {  	[tilespmem:s0], [sflag:$0x1] =	stream.indirect_vreg.gather [hbm4b:s1+s3], $0x80, v4, vm0, $0xb8;
	[tilespmem:$0x10100] =	vst v63  }
0x45: {  	s7 =	rddreg [dreg:$0xc]  }
0x46: {  	[tilespmem:s7], [sflag:$0x1] =	stream.indirect_vreg.gather [hbm4b:s1+s3], $0x80, v3, vm0, $0xb8;
	[tilespmem:$0x10100] =	vst v63  }
0x47: {  	v3 =	vld [tilespmem:$0x40];
	_ =	sdelay $0x4  }
0x48: {  	v52 =	vshll.u32 v3, $0x1  }
0x49: {  	v3 =	vand.u32 $0x7, v3;
	v4 =	vand.u32 $0xFFFFFFF0, v52  }
0x4a: {  	v3 =	vor.u32 v3, v4  }
0x4b: {  	v4 =	vperm.xlane v3, v0;
	_ =	sdelay $0x1  }
0x4c: {  	v3 =	vperm.xlane v3, v2;
	v4 =	vadd.s32 v1, v4;
	_ =	sdelay $0x1  }
0x4d: {  	v3 =	vadd.s32 v1, v3;
	_ =	sdelay $0x1  }
0x4e: {  	s7 =	simm.s32 $0x4100  }
0x4f: {  	[tilespmem:s7], [sflag:$0x1] =	stream.indirect_vreg.gather [hbm4b:s1+s3], $0x80, v4, vm0, $0xb8;
	[tilespmem:$0x10100] =	vst v63  }
0x50: {  	_ = 	snop  }
0x51: {  	[tilespmem:s8], [sflag:$0x1] =	stream.indirect_vreg.gather [hbm4b:s1+s3], $0x80, v3, vm0, $0xb8;
	[tilespmem:$0x10100] =	vst v63  }
0x52: {  	v3 =	vld [tilespmem:$0x50];
	_ =	sdelay $0x4  }
0x53: {  	v53 =	vshll.u32 v3, $0x1  }
0x54: {  	v3 =	vand.u32 $0x7, v3;
	v4 =	vand.u32 $0xFFFFFFF0, v53  }
0x55: {  	v3 =	vor.u32 v3, v4  }
0x56: {  	v4 =	vperm.xlane v3, v0;
	_ =	sdelay $0x1  }
0x57: {  	v3 =	vperm.xlane v3, v2;
	v4 =	vadd.s32 v1, v4;
	_ =	sdelay $0x1  }
0x58: {  	v3 =	vadd.s32 v1, v3;
	_ =	sdelay $0x2  }
0x59: {  	[tilespmem:s9], [sflag:$0x1] =	stream.indirect_vreg.gather [hbm4b:s1+s3], $0x80, v4, vm0, $0xb8;
	[tilespmem:$0x10100] =	vst v63  }
0x5a: {  	_ = 	snop  }
0x5b: {  	[tilespmem:s10], [sflag:$0x1] =	stream.indirect_vreg.gather [hbm4b:s1+s3], $0x80, v3, vm0, $0xb8;
	[tilespmem:$0x10100] =	vst v63  }
0x5c: {  	v3 =	vld [tilespmem:$0x60];
	_ =	sdelay $0x4  }
0x5d: {  	v54 =	vshll.u32 v3, $0x1  }
0x5e: {  	v3 =	vand.u32 $0x7, v3;
	v4 =	vand.u32 $0xFFFFFFF0, v54  }
0x5f: {  	v3 =	vor.u32 v3, v4  }
0x60: {  	v4 =	vperm.xlane v3, v0;
	_ =	sdelay $0x1  }
0x61: {  	v3 =	vperm.xlane v3, v2;
	v4 =	vadd.s32 v1, v4;
	_ =	sdelay $0x1  }
0x62: {  	v3 =	vadd.s32 v1, v3;
	_ =	sdelay $0x2  }
0x63: {  	[tilespmem:s11], [sflag:$0x1] =	stream.indirect_vreg.gather [hbm4b:s1+s3], $0x80, v4, vm0, $0xb8;
	[tilespmem:$0x10100] =	vst v63  }
0x64: {  	_ = 	snop  }
0x65: {  	[tilespmem:s12], [sflag:$0x1] =	stream.indirect_vreg.gather [hbm4b:s1+s3], $0x80, v3, vm0, $0xb8;
	[tilespmem:$0x10100] =	vst v63  }
0x66: {  	v3 =	vld [tilespmem:$0x70];
	_ =	sdelay $0x4  }
0x67: {  	v55 =	vshll.u32 v3, $0x1  }
0x68: {  	v3 =	vand.u32 $0x7, v3;
	v4 =	vand.u32 $0xFFFFFFF0, v55  }
0x69: {  	v3 =	vor.u32 v3, v4  }
0x6a: {  	v4 =	vperm.xlane v3, v0;
	_ =	sdelay $0x1  }
0x6b: {  	v3 =	vperm.xlane v3, v2;
	v4 =	vadd.s32 v1, v4;
	_ =	sdelay $0x1  }
0x6c: {  	v3 =	vadd.s32 v1, v3;
	_ =	sdelay $0x2  }
0x6d: {  	[tilespmem:s13], [sflag:$0x1] =	stream.indirect_vreg.gather [hbm4b:s1+s3], $0x80, v4, vm0, $0xb8;
	[tilespmem:$0x10100] =	vst v63  }
0x6e: {  	_ = 	snop  }
0x6f: {  	[tilespmem:s14], [sflag:$0x1] =	stream.indirect_vreg.gather [hbm4b:s1+s3], $0x80, v3, vm0, $0xb8;
	[tilespmem:$0x10100] =	vst v63  }
0x70: {  	v3 =	vld [tilespmem:$0x80];
	_ =	sdelay $0x4  }
0x71: {  	v56 =	vshll.u32 v3, $0x1  }
0x72: {  	v3 =	vand.u32 $0x7, v3;
	v4 =	vand.u32 $0xFFFFFFF0, v56  }
0x73: {  	v3 =	vor.u32 v3, v4  }
0x74: {  	v4 =	vperm.xlane v3, v0;
	_ =	sdelay $0x1  }
0x75: {  	v3 =	vperm.xlane v3, v2;
	v4 =	vadd.s32 v1, v4;
	_ =	sdelay $0x1  }
0x76: {  	v3 =	vadd.s32 v1, v3;
	_ =	sdelay $0x2  }
0x77: {  	[tilespmem:s15], [sflag:$0x1] =	stream.indirect_vreg.gather [hbm4b:s1+s3], $0x80, v4, vm0, $0xb8;
	[tilespmem:$0x10100] =	vst v63  }
0x78: {  	_ = 	snop  }
0x79: {  	[tilespmem:s16], [sflag:$0x1] =	stream.indirect_vreg.gather [hbm4b:s1+s3], $0x80, v3, vm0, $0xb8;
	[tilespmem:$0x10100] =	vst v63  }
0x7a: {  	v3 =	vld [tilespmem:$0x90];
	_ =	sdelay $0x4  }
0x7b: {  	v57 =	vshll.u32 v3, $0x1  }
0x7c: {  	v3 =	vand.u32 $0x7, v3;
	v4 =	vand.u32 $0xFFFFFFF0, v57  }
0x7d: {  	v3 =	vor.u32 v3, v4  }
0x7e: {  	v4 =	vperm.xlane v3, v0;
	_ =	sdelay $0x1  }
0x7f: {  	v3 =	vperm.xlane v3, v2;
	v4 =	vadd.s32 v1, v4;
	_ =	sdelay $0x1  }
0x80: {  	v3 =	vadd.s32 v1, v3;
	_ =	sdelay $0x2  }
0x81: {  	[tilespmem:s17], [sflag:$0x1] =	stream.indirect_vreg.gather [hbm4b:s1+s3], $0x80, v4, vm0, $0xb8;
	[tilespmem:$0x10100] =	vst v63  }
0x82: {  	_ = 	snop  }
0x83: {  	[tilespmem:s18], [sflag:$0x1] =	stream.indirect_vreg.gather [hbm4b:s1+s3], $0x80, v3, vm0, $0xb8;
	[tilespmem:$0x10100] =	vst v63  }
0x84: {  	v3 =	vld [tilespmem:$0xA0];
	_ =	sdelay $0x4  }
0x85: {  	v58 =	vshll.u32 v3, $0x1  }
0x86: {  	v3 =	vand.u32 $0x7, v3;
	v4 =	vand.u32 $0xFFFFFFF0, v58  }
0x87: {  	v3 =	vor.u32 v3, v4  }
0x88: {  	v4 =	vperm.xlane v3, v0;
	_ =	sdelay $0x1  }
0x89: {  	v3 =	vperm.xlane v3, v2;
	v4 =	vadd.s32 v1, v4;
	_ =	sdelay $0x1  }
0x8a: {  	v3 =	vadd.s32 v1, v3;
	_ =	sdelay $0x2  }
0x8b: {  	[tilespmem:s19], [sflag:$0x1] =	stream.indirect_vreg.gather [hbm4b:s1+s3], $0x80, v4, vm0, $0xb8;
	[tilespmem:$0x10100] =	vst v63  }
0x8c: {  	_ = 	snop  }
0x8d: {  	[tilespmem:s20], [sflag:$0x1] =	stream.indirect_vreg.gather [hbm4b:s1+s3], $0x80, v3, vm0, $0xb8;
	[tilespmem:$0x10100] =	vst v63  }
0x8e: {  	v3 =	vld [tilespmem:$0xB0];
	_ =	sdelay $0x4  }
0x8f: {  	v59 =	vshll.u32 v3, $0x1  }
0x90: {  	v3 =	vand.u32 $0x7, v3;
	v4 =	vand.u32 $0xFFFFFFF0, v59  }
0x91: {  	v3 =	vor.u32 v3, v4  }
0x92: {  	v4 =	vperm.xlane v3, v0;
	_ =	sdelay $0x1  }
0x93: {  	v3 =	vperm.xlane v3, v2;
	v4 =	vadd.s32 v1, v4;
	_ =	sdelay $0x1  }
0x94: {  	v3 =	vadd.s32 v1, v3;
	_ =	sdelay $0x2  }
0x95: {  	[tilespmem:s21], [sflag:$0x1] =	stream.indirect_vreg.gather [hbm4b:s1+s3], $0x80, v4, vm0, $0xb8;
	[tilespmem:$0x10100] =	vst v63  }
0x96: {  	_ = 	snop  }
0x97: {  	[tilespmem:s22], [sflag:$0x1] =	stream.indirect_vreg.gather [hbm4b:s1+s3], $0x80, v3, vm0, $0xb8;
	[tilespmem:$0x10100] =	vst v63  }
0x98: {  	v3 =	vld [tilespmem:$0xC0];
	_ =	sdelay $0x4  }
0x99: {  	v60 =	vshll.u32 v3, $0x1  }
0x9a: {  	v3 =	vand.u32 $0x7, v3;
	v4 =	vand.u32 $0xFFFFFFF0, v60  }
0x9b: {  	v3 =	vor.u32 v3, v4  }
0x9c: {  	v4 =	vperm.xlane v3, v0;
	_ =	sdelay $0x1  }
0x9d: {  	v3 =	vperm.xlane v3, v2;
	v4 =	vadd.s32 v1, v4;
	_ =	sdelay $0x1  }
0x9e: {  	v3 =	vadd.s32 v1, v3;
	_ =	sdelay $0x2  }
0x9f: {  	[tilespmem:s23], [sflag:$0x1] =	stream.indirect_vreg.gather [hbm4b:s1+s3], $0x80, v4, vm0, $0xb8;
	[tilespmem:$0x10100] =	vst v63  }
0xa0: {  	_ = 	snop  }
0xa1: {  	[tilespmem:s24], [sflag:$0x1] =	stream.indirect_vreg.gather [hbm4b:s1+s3], $0x80, v3, vm0, $0xb8;
	[tilespmem:$0x10100] =	vst v63  }
0xa2: {  	v3 =	vld [tilespmem:$0xD0];
	_ =	sdelay $0x4  }
0xa3: {  	v61 =	vshll.u32 v3, $0x1  }
0xa4: {  	v3 =	vand.u32 $0x7, v3;
	v4 =	vand.u32 $0xFFFFFFF0, v61  }
0xa5: {  	v3 =	vor.u32 v3, v4  }
0xa6: {  	v4 =	vperm.xlane v3, v0;
	_ =	sdelay $0x1  }
0xa7: {  	v3 =	vperm.xlane v3, v2;
	v4 =	vadd.s32 v1, v4;
	_ =	sdelay $0x1  }
0xa8: {  	v3 =	vadd.s32 v1, v3;
	_ =	sdelay $0x2  }
0xa9: {  	[tilespmem:s25], [sflag:$0x1] =	stream.indirect_vreg.gather [hbm4b:s1+s3], $0x80, v4, vm0, $0xb8;
	[tilespmem:$0x10100] =	vst v63  }
0xaa: {  	_ = 	snop  }
0xab: {  	[tilespmem:s26], [sflag:$0x1] =	stream.indirect_vreg.gather [hbm4b:s1+s3], $0x80, v3, vm0, $0xb8;
	[tilespmem:$0x10100] =	vst v63  }
0xac: {  	v3 =	vld [tilespmem:$0xE0];
	_ =	sdelay $0x4  }
0xad: {  	v62 =	vshll.u32 v3, $0x1  }
0xae: {  	v3 =	vand.u32 $0x7, v3;
	v4 =	vand.u32 $0xFFFFFFF0, v62  }
0xaf: {  	v3 =	vor.u32 v3, v4  }
0xb0: {  	v4 =	vperm.xlane v3, v0;
	_ =	sdelay $0x1  }
0xb1: {  	v3 =	vperm.xlane v3, v2;
	v4 =	vadd.s32 v1, v4;
	_ =	sdelay $0x1  }
0xb2: {  	v3 =	vadd.s32 v1, v3;
	_ =	sdelay $0x2  }
0xb3: {  	[tilespmem:s28], [sflag:$0x1] =	stream.indirect_vreg.gather [hbm4b:s1+s3], $0x80, v4, vm0, $0xb8;
	[tilespmem:$0x10100] =	vst v63  }
0xb4: {  	_ = 	snop  }
0xb5: {  	[tilespmem:s29], [sflag:$0x1] =	stream.indirect_vreg.gather [hbm4b:s1+s3], $0x80, v3, vm0, $0xb8;
	[tilespmem:$0x10100] =	vst v63  }
0xb6: {  	v3 =	vld [tilespmem:$0xF0];
	_ =	sdelay $0x4  }
0xb7: {  	v63 =	vshll.u32 v3, $0x1  }
0xb8: {  	v3 =	vand.u32 $0x7, v3;
	v4 =	vand.u32 $0xFFFFFFF0, v63  }
0xb9: {  	v3 =	vor.u32 v3, v4  }
0xba: {  	v4 =	vperm.xlane v3, v0;
	_ =	sdelay $0x1  }
0xbb: {  	v3 =	vperm.xlane v3, v2;
	v4 =	vadd.s32 v1, v4;
	_ =	sdelay $0x1  }
0xbc: {  	v3 =	vadd.s32 v1, v3;
	_ =	sdelay $0x2  }
0xbd: {  	[tilespmem:s30], [sflag:$0x1] =	stream.indirect_vreg.gather [hbm4b:s1+s3], $0x80, v4, vm0, $0xb8;
	[tilespmem:$0x10100] =	vst v63  }
0xbe: {  	_ = 	snop  }
0xbf: {  	[tilespmem:s31], [sflag:$0x1] =	stream.indirect_vreg.gather [hbm4b:s1+s3], $0x80, v3, vm0, $0xb8;
	[tilespmem:$0x10100] =	vst v63  }
0xc0: {  	_ =	swait.ge [sflag:s2], $0x10000  }
0xc1: {  	p0 =	sne.s32 s4, $0x1;
	[sflag:s2] =	ssyncset.done $0x0  }
.Ltmp0:
0xc2: {  	s7 =	rddreg [dreg:$0x5];
	[sflag:s2] =	ssyncadd.s32 $0xFFFF0000;
	(pc) =	sbr.rel @p0 .LBB2_1-.Ltmp0, $4  }
0xc3: {  	[hbm4b:s7+s3] =	stream.linear.scatter [tilespmem:s6], [sflag:$0x2], $0x10000, $0x38;
	[tilespmem:$0x10100] =	vst v63  }
0xc4: {  	_ =	swait.ge [sflag:s5], $0x10000  }
0xc5: {  	[sflag:s5] =	ssyncset.done $0x0  }
0xc6: {  	s4 =	sadd.s32 $0xFFFFFFFF, s4;
	[sflag:s5] =	ssyncadd.s32 $0xFFFF0000  }
0xc7: {  	_ =	sfence.sel $0x180000  }
0xc8: {  	[bflag:$0x0] =	sbarrier.arrive $0xFFFF  }
0xc9: {  	_ =	strace $0x90000047  }
0xca: {  	s0 =	stileid.u32;
	[bflag:$0x2] =	sbarrier.arrive $0xFFFF  }
0xcb: {  	p0 =	sne.s32 s0, $0x0;
	s0 =	rddreg [dreg:$0x3]  }
0xcc: {  	s0 =	sadd.s32 @!p0 $0x100000, s0  }
0xcd: {  	[sflag:s0] =	ssyncadd.tile.s32 @!p0 $0x1;
	_ =	shalt  }
.Lfunc_end2:
_tile_overlayer_lowered:
.L_overlay_start_2:
0xce: {  	(tag) =	ssettag $0x2  }
0xcf: {  	s0 =	rddreg [dreg:$0x0];
	s2 =	stileid.u32  }
0xd0: {  	s1 =	rddreg [dreg:$0x1];
	p0 =	sne.s32 s2, $0x0  }
0xd1: {  	s3 =	rddreg [dreg:$0x2];
	[bflag:$0x3] =	sbarrier.arrive $0xFFFF;
	s2 =	simm.s32 @!p0 $0x1C02  }
0xd2: {  	[timem:s3], [sflag:s2] =	dma.local @!p0 [hbm:s0], s1  }
0xd3: {  	s0 =	simm.s32 @!p0 $0x2  }
0xd4: {  	_ =	swait.ge @!p0 [sflag:s0], s1  }
0xd5: {  	s1 =	ssub.s32 @!p0 $0x0, s1;
	[sflag:s0] =	ssyncset.done @!p0 $0x0  }
0xd6: {  	[sflag:s0] =	ssyncadd.s32 @!p0 s1  }
0xd7: {  	[bflag:$0x3] =	sbarrier.arrive $0xFFFF  }
0xd8: {  	_ =	shalt  }

</sc_bundles>
